<compile_context>
chip_gen: v7x
topology: tpu7x:2x2x1
jax: 0.10.2.dev20260603
libtpu: 0.0.44.dev20260713+nightly
codegen_flags: <defaults>
</compile_context>

<pallas_src>
import functools

import jax
import jax.numpy as jnp
from jax import lax
from jax.experimental import pallas as pl
from jax.experimental.pallas import tpu as pltpu
from jax.experimental.pallas import tpu_sc as plsc

_N_LEVELS = 16
_T = 1 << 15
_MASK = _T - 1
_HASH_PRIME = -1640531535
_NC = 2
_LANES = 16
_CHUNK = 8192
_VU = 6

_P1, _P2, _P4, _P8 = 1.5, 2.25, 5.0625, 25.62890625


def _encode_body(part_base, npts,
                 ux_hbm, uy_hbm, tab_hbm, out_hbm,
                 tab_v, ux0_v, uy0_v, e0_v, ux1_v, uy1_v, e1_v,
                 sin0, sin1, sout0, sout1):
    half_n = npts // _NC
    nchunks = half_n // _CHUNK
    c = lax.axis_index("c")
    s = lax.axis_index("s")
    lvl = s
    pltpu.sync_copy(tab_hbm.at[lvl], tab_v)

    bufs = ((ux0_v, uy0_v, e0_v, sin0, sout0),
            (ux1_v, uy1_v, e1_v, sin1, sout1))

    lv = jnp.full((_LANES,), lvl, dtype=jnp.int32)
    scale = jnp.full((_LANES,), 16.0, dtype=jnp.float32)
    scale = scale * jnp.where((lv & 1) != 0, _P1, 1.0).astype(jnp.float32)
    scale = scale * jnp.where((lv & 2) != 0, _P2, 1.0).astype(jnp.float32)
    scale = scale * jnp.where((lv & 4) != 0, _P4, 1.0).astype(jnp.float32)
    scale = scale * jnp.where((lv & 8) != 0, _P8, 1.0).astype(jnp.float32)

    in_base0 = part_base + c * half_n
    out_base0 = c * half_n

    def in_copies(p, ci):
        ux_v, uy_v = bufs[p][0], bufs[p][1]
        sem = bufs[p][3]
        base = in_base0 + ci * _CHUNK
        return (pltpu.make_async_copy(ux_hbm.at[pl.ds(base, _CHUNK)], ux_v, sem),
                pltpu.make_async_copy(uy_hbm.at[pl.ds(base, _CHUNK)], uy_v, sem))

    def out_copies(p, ci):
        e_v = bufs[p][2]
        sem = bufs[p][4]
        base = out_base0 + ci * _CHUNK
        return (pltpu.make_async_copy(e_v, out_hbm.at[lvl, pl.ds(base, _CHUNK)], sem),)

    for cp in in_copies(0, 0) + in_copies(1, 1):
        cp.start()

    def encode_16(x, y):
        px = x * scale
        py = y * scale
        xi = px.astype(jnp.int32)
        yi = py.astype(jnp.int32)
        wx = px - xi.astype(jnp.float32)
        wy = py - yi.astype(jnp.float32)
        hy0 = yi * _HASH_PRIME
        hy1 = hy0 + _HASH_PRIME
        x1 = xi + 1
        i00 = (xi ^ hy0) & _MASK
        i01 = (xi ^ hy1) & _MASK
        i10 = (x1 ^ hy0) & _MASK
        i11 = (x1 ^ hy1) & _MASK
        wx0 = 1.0 - wx
        wy0 = 1.0 - wy
        w00 = wx0 * wy0
        w01 = wx0 * wy
        w10 = wx * wy0
        w11 = wx * wy
        g00 = plsc.load_gather(tab_v, [i00])
        g01 = plsc.load_gather(tab_v, [i01])
        g10 = plsc.load_gather(tab_v, [i10])
        g11 = plsc.load_gather(tab_v, [i11])

        def f0(g):
            return plsc.bitcast(g << 16, jnp.float32)

        def f1(g):
            return plsc.bitcast(g & jnp.int32(-65536), jnp.float32)

        e0 = f0(g00) * w00 + f0(g01) * w01 + f0(g10) * w10 + f0(g11) * w11
        e1 = f1(g00) * w00 + f1(g01) * w01 + f1(g10) * w10 + f1(g11) * w11
        return e0, e1

    def chunk_pair(ci2, carry):
        for p in (0, 1):
            ci = ci2 * 2 + p
            ux_v, uy_v, e_v = bufs[p][0], bufs[p][1], bufs[p][2]
            for cp in in_copies(p, ci):
                cp.wait()

            @pl.when(ci2 > 0)
            def _wait_prev_out():
                for cp in out_copies(p, ci):
                    cp.wait()

            @plsc.parallel_loop(0, _CHUNK // _LANES, unroll=_VU)
            def vec_body(i):
                off = i * _LANES
                x = ux_v[pl.ds(off, _LANES)]
                y = uy_v[pl.ds(off, _LANES)]
                e0, e1 = encode_16(x, y)
                pk = plsc.pack(e0, e1, format=plsc.PackFormat.INTERLEAVED)
                e_v[pl.ds(off, _LANES)] = plsc.bitcast(pk, jnp.int32)

            for cp in out_copies(p, ci):
                cp.start()

            @pl.when(ci + 2 < nchunks)
            def _prefetch_next():
                for cp in in_copies(p, ci + 2):
                    cp.start()

        return carry

    lax.fori_loop(0, nchunks // 2, chunk_pair, 0)
    for p in (0, 1):
        for cp in out_copies(p, nchunks - 2 + p):
            cp.wait()


@functools.lru_cache(maxsize=None)
def _make_encode(n, nsplit, part):
    npts = n // nsplit
    mesh = plsc.VectorSubcoreMesh(core_axis_name="c", subcore_axis_name="s")
    return functools.partial(
        pl.kernel,
        mesh=mesh,
        out_type=jax.ShapeDtypeStruct((_N_LEVELS, npts), jnp.int32),
        scratch_types=[
            pltpu.VMEM((_T,), jnp.int32),
            pltpu.VMEM((_CHUNK,), jnp.float32),
            pltpu.VMEM((_CHUNK,), jnp.float32),
            pltpu.VMEM((_CHUNK,), jnp.int32),
            pltpu.VMEM((_CHUNK,), jnp.float32),
            pltpu.VMEM((_CHUNK,), jnp.float32),
            pltpu.VMEM((_CHUNK,), jnp.int32),
            pltpu.SemaphoreType.DMA,
            pltpu.SemaphoreType.DMA,
            pltpu.SemaphoreType.DMA,
            pltpu.SemaphoreType.DMA,
        ],
        compiler_params=pltpu.CompilerParams(needs_layout_passes=False),
    )(functools.partial(_encode_body, part * npts, npts))


def _mlp_body(x_ref, w1ta_ref, w1tb_ref, w2t_ref, w3t_ref, o_ref):
    x = x_ref[...]
    x0 = lax.bitcast_convert_type(x << 16, jnp.float32)
    x1 = lax.bitcast_convert_type(x & jnp.int32(-65536), jnp.float32)
    h = (lax.dot_general(w1ta_ref[...], x0, (((1,), (0,)), ((), ())),
                         preferred_element_type=jnp.float32)
         + lax.dot_general(w1tb_ref[...], x1, (((1,), (0,)), ((), ())),
                           preferred_element_type=jnp.float32))
    h = jnp.maximum(h, 0.0)
    h = lax.dot_general(w2t_ref[...], h, (((1,), (0,)), ((), ())),
                        preferred_element_type=jnp.float32)
    h = jnp.maximum(h, 0.0)
    o_ref[...] = lax.dot_general(w3t_ref[...], h, (((1,), (0,)), ((), ())),
                                 preferred_element_type=jnp.float32)


_BN = 32768


def _mlp(enc, w1ta, w1tb, w2t, w3t):
    npts = enc.shape[1]
    bn = min(_BN, npts)
    return pl.pallas_call(
        _mlp_body,
        grid=(npts // bn,),
        in_specs=[
            pl.BlockSpec((_N_LEVELS, bn), lambda i: (0, i)),
            pl.BlockSpec((64, _N_LEVELS), lambda i: (0, 0)),
            pl.BlockSpec((64, _N_LEVELS), lambda i: (0, 0)),
            pl.BlockSpec((64, 64), lambda i: (0, 0)),
            pl.BlockSpec((3, 64), lambda i: (0, 0)),
        ],
        out_specs=pl.BlockSpec((3, bn), lambda i: (0, i)),
        out_shape=jax.ShapeDtypeStruct((3, npts), jnp.float32),
    )(enc, w1ta, w1tb, w2t, w3t)


_NSPLIT = 1


def kernel(uv_coords, bake, table, W1, W2, W3):
    del bake
    n = uv_coords.shape[0]
    ux = uv_coords[:, 0]
    uy = uv_coords[:, 1]
    tabp = lax.bitcast_convert_type(table.astype(jnp.bfloat16), jnp.int32)
    w1t = W1.T
    w1ta, w1tb = w1t[:, 0::2], w1t[:, 1::2]
    w2t, w3t = W2.T, W3.T
    outs = []
    for part in range(_NSPLIT):
        enc = _make_encode(n, _NSPLIT, part)(ux, uy, tabp)
        outs.append(_mlp(enc, w1ta, w1tb, w2t, w3t).T)
    out = jnp.concatenate(outs, axis=0) if len(outs) > 1 else outs[0]
    return out.astype(jnp.float32)

# --- scband reference (transcript-rebuilt; emitter-appended) ---
"""Pipeline reference for scband-neural-texture-89790586290712 (READ-ONLY COPY).

The authoritative reference and input builder live on the scoring server;
editing this copy changes nothing except your own understanding.
"""

import jax, jax.numpy as jnp
import numpy as np

N_LEVELS = 16
N_FEATS = 2
LOG2_T = 15
T = 1 << LOG2_T
BASE_RES = 16.0
PER_LEVEL_SCALE = 1.5
HASH_PRIME = np.uint32(2654435761)


def _hashgrid_encode(uv, table):
    # uv: [N, 2] in [0,1); table: [L, T, F]
    N = uv.shape[0]
    outs = []
    for l in range(N_LEVELS):
        scale = BASE_RES * (PER_LEVEL_SCALE ** l)
        pos = uv * scale
        pos0 = jnp.floor(pos)
        w = pos - pos0
        pos0i = pos0.astype(jnp.uint32)
        acc = jnp.zeros((N, N_FEATS), dtype=table.dtype)
        for dx in (0, 1):
            for dy in (0, 1):
                cx = pos0i[:, 0] + jnp.uint32(dx)
                cy = pos0i[:, 1] + jnp.uint32(dy)
                idx = (cx ^ (cy * HASH_PRIME)) & jnp.uint32(T - 1)
                feats = jnp.take(table[l], idx.astype(jnp.int32), axis=0)
                wx = w[:, 0] if dx == 1 else (1.0 - w[:, 0])
                wy = w[:, 1] if dy == 1 else (1.0 - w[:, 1])
                acc = acc + feats * (wx * wy)[:, None]
        outs.append(acc)
    return jnp.concatenate(outs, axis=1)  # [N, 32]


def setup_inputs(seed: int = 0) -> dict:
    key = jax.random.key(seed)
    k1, k2, k3, k4, k5 = jax.random.split(key, 5)
    N = 262144
    uv_coords = jax.random.uniform(k1, (N, 2), dtype=jnp.float32)
    # tcnn HashGrid init: uniform in [-1e-4, 1e-4]
    table = jax.random.uniform(k2, (N_LEVELS, T, N_FEATS), dtype=jnp.float32, minval=-1e-4, maxval=1e-4)
    d_in = N_LEVELS * N_FEATS  # 32
    W1 = jax.random.normal(k3, (d_in, 64), dtype=jnp.float32) * (1.0 / np.sqrt(d_in))
    W2 = jax.random.normal(k4, (64, 64), dtype=jnp.float32) * (1.0 / np.sqrt(64))
    W3 = jax.random.normal(k5, (64, 3), dtype=jnp.float32) * (1.0 / np.sqrt(64))
    return {"uv_coords": uv_coords, "bake": 1, "table": table, "W1": W1, "W2": W2, "W3": W3}


def reference(uv_coords, bake, table, W1, W2, W3):
    # bake=True path: uv_coords fed directly into encoding + MLP, output returned as float
    enc = _hashgrid_encode(uv_coords, table)
    h = jax.nn.relu(enc @ W1)
    h = jax.nn.relu(h @ W2)
    out = h @ W3
    return out.astype(jnp.float32)

if __name__ == "__main__":
    import jax
    _d = setup_inputs()
    print(jax.jit(kernel)(*tuple(_d.values())))

</pallas_src>

<mosaic_0001>
#map = affine_map<(d0, d1) -> (0)>
#map1 = affine_map<(d0, d1) -> (0, 0)>
module attributes {stable_mosaic.version = 14 : i64} {
  func.func @_encode_body(%arg0: i32, %arg1: i32, %arg2: memref<262144xf32, #tpu.memory_space<hbm>>, %arg3: memref<262144xf32, #tpu.memory_space<hbm>>, %arg4: memref<16x32768xi32, #tpu.memory_space<hbm>>, %arg5: memref<16x262144xi32, #tpu.memory_space<hbm>>, %arg6: memref<32768xi32, #tpu.memory_space<vmem>>, %arg7: memref<8192xf32, #tpu.memory_space<vmem>>, %arg8: memref<8192xf32, #tpu.memory_space<vmem>>, %arg9: memref<8192xi32, #tpu.memory_space<vmem>>, %arg10: memref<8192xf32, #tpu.memory_space<vmem>>, %arg11: memref<8192xf32, #tpu.memory_space<vmem>>, %arg12: memref<8192xi32, #tpu.memory_space<vmem>>, %arg13: memref<!tpu.dma_semaphore, #tpu.memory_space<semaphore_mem>>, %arg14: memref<!tpu.dma_semaphore, #tpu.memory_space<semaphore_mem>>, %arg15: memref<!tpu.dma_semaphore, #tpu.memory_space<semaphore_mem>>, %arg16: memref<!tpu.dma_semaphore, #tpu.memory_space<semaphore_mem>>) attributes {dimension_semantics = [#tpu.dimension_semantics<core_parallel>, #tpu.dimension_semantics<subcore_parallel>], iteration_bounds = array<i64: 2, 16>, scalar_prefetch = 0 : i64, scratch_operands = 11 : i64, tpu.core_type = #tpu.core_type<sc_vector_subcore>, window_params = [{transform_indices = #map}, {transform_indices = #map}, {transform_indices = #map1}, {transform_indices = #map1}]} {
    "tpu.region"() ({
      %run_scoped3A = tpu.sem_alloc : memref<!tpu.dma_semaphore, #tpu.memory_space<semaphore_mem>>
      %dma_start3A_77 = arith.constant 0 : i32
      %dma_start3A_78 = tpu.memref_slice %arg4[%arg1, %dma_start3A_77] : memref<16x32768xi32, #tpu.memory_space<hbm>> -> memref<1x32768xi32, #tpu.memory_space<hbm>>
      %dma_start3A_79 = tpu.memref_squeeze %dma_start3A_78 : memref<1x32768xi32, #tpu.memory_space<hbm>> -> memref<32768xi32, #tpu.memory_space<hbm>>
      %dma_start3A_80 = arith.constant 0 : i32
      %dma_start3A_81 = tpu.memref_slice %arg4[%arg1, %dma_start3A_80] : memref<16x32768xi32, #tpu.memory_space<hbm>> -> memref<1x32768xi32, #tpu.memory_space<hbm>>
      %dma_start3A_82 = tpu.memref_squeeze %dma_start3A_81 : memref<1x32768xi32, #tpu.memory_space<hbm>> -> memref<32768xi32, #tpu.memory_space<hbm>>
      tpu.enqueue_dma source(%dma_start3A_82 : memref<32768xi32, #tpu.memory_space<hbm>>) target(%arg6 : memref<32768xi32, #tpu.memory_space<vmem>>) target_semaphore(%run_scoped3A : memref<!tpu.dma_semaphore, #tpu.memory_space<semaphore_mem>>)
      %dma_wait3A_83 = arith.constant 0 : i32
      %dma_wait3A_84 = tpu.memref_slice %arg4[%arg1, %dma_wait3A_83] : memref<16x32768xi32, #tpu.memory_space<hbm>> -> memref<1x32768xi32, #tpu.memory_space<hbm>>
      %dma_wait3A_85 = tpu.memref_squeeze %dma_wait3A_84 : memref<1x32768xi32, #tpu.memory_space<hbm>> -> memref<32768xi32, #tpu.memory_space<hbm>>
      %dma_wait3A_86 = arith.constant 0 : i32
      %dma_wait3A_87 = tpu.memref_slice %arg4[%arg1, %dma_wait3A_86] : memref<16x32768xi32, #tpu.memory_space<hbm>> -> memref<1x32768xi32, #tpu.memory_space<hbm>>
      %dma_wait3A_88 = tpu.memref_squeeze %dma_wait3A_87 : memref<1x32768xi32, #tpu.memory_space<hbm>> -> memref<32768xi32, #tpu.memory_space<hbm>>
      tpu.wait_dma2 semaphore(%run_scoped3A : memref<!tpu.dma_semaphore, #tpu.memory_space<semaphore_mem>>) src(%dma_wait3A_88 : memref<32768xi32, #tpu.memory_space<hbm>>) dst(%arg6 : memref<32768xi32, #tpu.memory_space<vmem>>)
      tpu.yield
    }) : () -> ()
    %broadcast_in_dim3A = vector.broadcast %arg1 : i32 to vector<16xi32>
    %broadcast_in_dim3A_0 = arith.constant 1.600000e+01 : f32
    %broadcast_in_dim3A_1 = vector.broadcast %broadcast_in_dim3A_0 : f32 to vector<16xf32>
    %and3A = arith.constant 1 : i32
    %and3A_2 = vector.broadcast %and3A : i32 to vector<16xi32>
    %and3A_3 = arith.andi %broadcast_in_dim3A, %and3A_2 : vector<16xi32>
    %ne3A = arith.constant 0 : i32
    %ne3A_4 = vector.broadcast %ne3A : i32 to vector<16xi32>
    %ne3A_5 = arith.cmpi ne, %and3A_3, %ne3A_4 : vector<16xi32>
    %jit3A = arith.constant 1.500000e+00 : f32
    %jit3A_6 = arith.constant 1.000000e+00 : f32
    %broadcast_in_dim3A_7 = vector.broadcast %jit3A : f32 to vector<16xf32>
    %broadcast_in_dim3A_8 = vector.broadcast %jit3A_6 : f32 to vector<16xf32>
    %select_n3A = arith.select %ne3A_5, %broadcast_in_dim3A_7, %broadcast_in_dim3A_8 : vector<16xi1>, vector<16xf32>
    %mul3A = arith.mulf %broadcast_in_dim3A_1, %select_n3A : vector<16xf32>
    %and3A_9 = arith.constant 2 : i32
    %and3A_10 = vector.broadcast %and3A_9 : i32 to vector<16xi32>
    %and3A_11 = arith.andi %broadcast_in_dim3A, %and3A_10 : vector<16xi32>
    %ne3A_12 = arith.constant 0 : i32
    %ne3A_13 = vector.broadcast %ne3A_12 : i32 to vector<16xi32>
    %ne3A_14 = arith.cmpi ne, %and3A_11, %ne3A_13 : vector<16xi32>
    %jit3A_15 = arith.constant 2.250000e+00 : f32
    %jit3A_16 = arith.constant 1.000000e+00 : f32
    %broadcast_in_dim3A_17 = vector.broadcast %jit3A_15 : f32 to vector<16xf32>
    %broadcast_in_dim3A_18 = vector.broadcast %jit3A_16 : f32 to vector<16xf32>
    %select_n3A_19 = arith.select %ne3A_14, %broadcast_in_dim3A_17, %broadcast_in_dim3A_18 : vector<16xi1>, vector<16xf32>
    %mul3A_20 = arith.mulf %mul3A, %select_n3A_19 : vector<16xf32>
    %and3A_21 = arith.constant 4 : i32
    %and3A_22 = vector.broadcast %and3A_21 : i32 to vector<16xi32>
    %and3A_23 = arith.andi %broadcast_in_dim3A, %and3A_22 : vector<16xi32>
    %ne3A_24 = arith.constant 0 : i32
    %ne3A_25 = vector.broadcast %ne3A_24 : i32 to vector<16xi32>
    %ne3A_26 = arith.cmpi ne, %and3A_23, %ne3A_25 : vector<16xi32>
    %jit3A_27 = arith.constant 5.062500e+00 : f32
    %jit3A_28 = arith.constant 1.000000e+00 : f32
    %broadcast_in_dim3A_29 = vector.broadcast %jit3A_27 : f32 to vector<16xf32>
    %broadcast_in_dim3A_30 = vector.broadcast %jit3A_28 : f32 to vector<16xf32>
    %select_n3A_31 = arith.select %ne3A_26, %broadcast_in_dim3A_29, %broadcast_in_dim3A_30 : vector<16xi1>, vector<16xf32>
    %mul3A_32 = arith.mulf %mul3A_20, %select_n3A_31 : vector<16xf32>
    %and3A_33 = arith.constant 8 : i32
    %and3A_34 = vector.broadcast %and3A_33 : i32 to vector<16xi32>
    %and3A_35 = arith.andi %broadcast_in_dim3A, %and3A_34 : vector<16xi32>
    %ne3A_36 = arith.constant 0 : i32
    %ne3A_37 = vector.broadcast %ne3A_36 : i32 to vector<16xi32>
    %ne3A_38 = arith.cmpi ne, %and3A_35, %ne3A_37 : vector<16xi32>
    %jit3A_39 = arith.constant 25.6289063 : f32
    %jit3A_40 = arith.constant 1.000000e+00 : f32
    %broadcast_in_dim3A_41 = vector.broadcast %jit3A_39 : f32 to vector<16xf32>
    %broadcast_in_dim3A_42 = vector.broadcast %jit3A_40 : f32 to vector<16xf32>
    %select_n3A_43 = arith.select %ne3A_38, %broadcast_in_dim3A_41, %broadcast_in_dim3A_42 : vector<16xi1>, vector<16xf32>
    %mul3A_44 = arith.mulf %mul3A_32, %select_n3A_43 : vector<16xf32>
    %mul3A_45 = arith.constant 131072 : i32
    %mul3A_46 = arith.muli %arg0, %mul3A_45 : i32
    %add3A = arith.constant 0 : i32
    %add3A_47 = arith.addi %add3A, %mul3A_46 : i32
    %mul3A_48 = arith.constant 131072 : i32
    %mul3A_49 = arith.muli %arg0, %mul3A_48 : i32
    %add3A_50 = arith.constant 0 : i32
    %add3A_51 = arith.addi %add3A_47, %add3A_50 : i32
    %add3A_52 = arith.constant 8192 : i32
    %add3A_53 = arith.addi %add3A_47, %add3A_52 : i32
    %dma_start3A = tpu.memref_slice %arg2[%add3A_51] : memref<262144xf32, #tpu.memory_space<hbm>> -> memref<8192xf32, #tpu.memory_space<hbm>>
    %dma_start3A_54 = tpu.memref_slice %arg2[%add3A_51] : memref<262144xf32, #tpu.memory_space<hbm>> -> memref<8192xf32, #tpu.memory_space<hbm>>
    tpu.enqueue_dma source(%dma_start3A_54 : memref<8192xf32, #tpu.memory_space<hbm>>) target(%arg7 : memref<8192xf32, #tpu.memory_space<vmem>>) target_semaphore(%arg13 : memref<!tpu.dma_semaphore, #tpu.memory_space<semaphore_mem>>)
    %dma_start3A_55 = tpu.memref_slice %arg3[%add3A_51] : memref<262144xf32, #tpu.memory_space<hbm>> -> memref<8192xf32, #tpu.memory_space<hbm>>
    %dma_start3A_56 = tpu.memref_slice %arg3[%add3A_51] : memref<262144xf32, #tpu.memory_space<hbm>> -> memref<8192xf32, #tpu.memory_space<hbm>>
    tpu.enqueue_dma source(%dma_start3A_56 : memref<8192xf32, #tpu.memory_space<hbm>>) target(%arg8 : memref<8192xf32, #tpu.memory_space<vmem>>) target_semaphore(%arg13 : memref<!tpu.dma_semaphore, #tpu.memory_space<semaphore_mem>>)
    %dma_start3A_57 = tpu.memref_slice %arg2[%add3A_53] : memref<262144xf32, #tpu.memory_space<hbm>> -> memref<8192xf32, #tpu.memory_space<hbm>>
    %dma_start3A_58 = tpu.memref_slice %arg2[%add3A_53] : memref<262144xf32, #tpu.memory_space<hbm>> -> memref<8192xf32, #tpu.memory_space<hbm>>
    tpu.enqueue_dma source(%dma_start3A_58 : memref<8192xf32, #tpu.memory_space<hbm>>) target(%arg10 : memref<8192xf32, #tpu.memory_space<vmem>>) target_semaphore(%arg14 : memref<!tpu.dma_semaphore, #tpu.memory_space<semaphore_mem>>)
    %dma_start3A_59 = tpu.memref_slice %arg3[%add3A_53] : memref<262144xf32, #tpu.memory_space<hbm>> -> memref<8192xf32, #tpu.memory_space<hbm>>
    %dma_start3A_60 = tpu.memref_slice %arg3[%add3A_53] : memref<262144xf32, #tpu.memory_space<hbm>> -> memref<8192xf32, #tpu.memory_space<hbm>>
    tpu.enqueue_dma source(%dma_start3A_60 : memref<8192xf32, #tpu.memory_space<hbm>>) target(%arg11 : memref<8192xf32, #tpu.memory_space<vmem>>) target_semaphore(%arg14 : memref<!tpu.dma_semaphore, #tpu.memory_space<semaphore_mem>>)
    %scan3A = arith.constant 0 : i32
    %scan3A_61 = arith.constant 0 : i32
    %scan3A_62 = arith.constant 8 : i32
    %scan3A_63 = arith.addi %scan3A_61, %scan3A_62 : i32
    %scan3A_64 = arith.constant 1 : i32
    scf.for %scan3A_77 = %scan3A_61 to %scan3A_63 step %scan3A_64  : i32 {
      %mul3A_78 = arith.constant 2 : i32
      %mul3A_79 = arith.muli %scan3A_77, %mul3A_78 : i32
      %add3A_80 = arith.constant 0 : i32
      %add3A_81 = arith.addi %mul3A_79, %add3A_80 : i32
      %mul3A_82 = arith.constant 8192 : i32
      %mul3A_83 = arith.muli %add3A_81, %mul3A_82 : i32
      %add3A_84 = arith.addi %add3A_47, %mul3A_83 : i32
      %dma_wait3A_85 = tpu.memref_slice %arg2[%add3A_84] : memref<262144xf32, #tpu.memory_space<hbm>> -> memref<8192xf32, #tpu.memory_space<hbm>>
      %dma_wait3A_86 = tpu.memref_slice %arg2[%add3A_84] : memref<262144xf32, #tpu.memory_space<hbm>> -> memref<8192xf32, #tpu.memory_space<hbm>>
      tpu.wait_dma2 semaphore(%arg13 : memref<!tpu.dma_semaphore, #tpu.memory_space<semaphore_mem>>) src(%dma_wait3A_86 : memref<8192xf32, #tpu.memory_space<hbm>>) dst(%arg7 : memref<8192xf32, #tpu.memory_space<vmem>>)
      %dma_wait3A_87 = tpu.memref_slice %arg3[%add3A_84] : memref<262144xf32, #tpu.memory_space<hbm>> -> memref<8192xf32, #tpu.memory_space<hbm>>
      %dma_wait3A_88 = tpu.memref_slice %arg3[%add3A_84] : memref<262144xf32, #tpu.memory_space<hbm>> -> memref<8192xf32, #tpu.memory_space<hbm>>
      tpu.wait_dma2 semaphore(%arg13 : memref<!tpu.dma_semaphore, #tpu.memory_space<semaphore_mem>>) src(%dma_wait3A_88 : memref<8192xf32, #tpu.memory_space<hbm>>) dst(%arg8 : memref<8192xf32, #tpu.memory_space<vmem>>)
      %gt3A = arith.constant 0 : i32
      %gt3A_89 = arith.cmpi sgt, %scan3A_77, %gt3A : i32
      %convert_element_type3A = arith.extui %gt3A_89 : i1 to i32
      %cond3A = arith.constant 0 : i32
      %cond3A_90 = arith.cmpi ne, %convert_element_type3A, %cond3A : i32
      scf.if %cond3A_90 {
        %mul3A_139 = arith.constant 8192 : i32
        %mul3A_140 = arith.muli %add3A_81, %mul3A_139 : i32
        %add3A_141 = arith.addi %mul3A_49, %mul3A_140 : i32
        %dma_wait3A_142 = tpu.memref_slice %arg5[%arg1, %add3A_141] : memref<16x262144xi32, #tpu.memory_space<hbm>> -> memref<1x8192xi32, #tpu.memory_space<hbm>>
        %dma_wait3A_143 = tpu.memref_squeeze %dma_wait3A_142 : memref<1x8192xi32, #tpu.memory_space<hbm>> -> memref<8192xi32, #tpu.memory_space<hbm>>
        %dma_wait3A_144 = tpu.memref_slice %arg5[%arg1, %add3A_141] : memref<16x262144xi32, #tpu.memory_space<hbm>> -> memref<1x8192xi32, #tpu.memory_space<hbm>>
        %dma_wait3A_145 = tpu.memref_squeeze %dma_wait3A_144 : memref<1x8192xi32, #tpu.memory_space<hbm>> -> memref<8192xi32, #tpu.memory_space<hbm>>
        tpu.wait_dma2 semaphore(%arg15 : memref<!tpu.dma_semaphore, #tpu.memory_space<semaphore_mem>>) src(%arg9 : memref<8192xi32, #tpu.memory_space<vmem>>) dst(%dma_wait3A_145 : memref<8192xi32, #tpu.memory_space<hbm>>)
      } else {
      }
      %parallel_loop3A = arith.constant 0 : i32
      %parallel_loop3A_91 = arith.constant 512 : i32
      %parallel_loop3A_92 = arith.constant 1 : i32
      scf.for %parallel_loop3A_139 = %parallel_loop3A to %parallel_loop3A_91 step %parallel_loop3A_92  : i32 {
        %parallel_loop3A_140 = arith.constant 16 : i32
        %parallel_loop3A_141 = arith.muli %parallel_loop3A_139, %parallel_loop3A_140 : i32
        %parallel_loop3A_142 = arith.index_cast %parallel_loop3A_141 : i32 to index
        %parallel_loop3A_143 = tpu.vector_load %arg7[%parallel_loop3A_142] {strides = array<i32>} : memref<8192xf32, #tpu.memory_space<vmem>>, vector<16xf32>,
        %parallel_loop3A_144 = arith.index_cast %parallel_loop3A_141 : i32 to index
        %parallel_loop3A_145 = tpu.vector_load %arg8[%parallel_loop3A_144] {strides = array<i32>} : memref<8192xf32, #tpu.memory_space<vmem>>, vector<16xf32>,
        %parallel_loop3A_146 = arith.mulf %parallel_loop3A_143, %mul3A_44 : vector<16xf32>
        %parallel_loop3A_147 = arith.mulf %parallel_loop3A_145, %mul3A_44 : vector<16xf32>
        %parallel_loop3A_148 = arith.fptosi %parallel_loop3A_146 : vector<16xf32> to vector<16xi32>
        %parallel_loop3A_149 = arith.fptosi %parallel_loop3A_147 : vector<16xf32> to vector<16xi32>
        %parallel_loop3A_150 = arith.sitofp %parallel_loop3A_148 : vector<16xi32> to vector<16xf32>
        %parallel_loop3A_151 = arith.subf %parallel_loop3A_146, %parallel_loop3A_150 : vector<16xf32>
        %parallel_loop3A_152 = arith.sitofp %parallel_loop3A_149 : vector<16xi32> to vector<16xf32>
        %parallel_loop3A_153 = arith.subf %parallel_loop3A_147, %parallel_loop3A_152 : vector<16xf32>
        %parallel_loop3A_154 = arith.constant -1640531535 : i32
        %parallel_loop3A_155 = vector.broadcast %parallel_loop3A_154 : i32 to vector<16xi32>
        %parallel_loop3A_156 = arith.muli %parallel_loop3A_149, %parallel_loop3A_155 : vector<16xi32>
        %parallel_loop3A_157 = arith.constant -1640531535 : i32
        %parallel_loop3A_158 = vector.broadcast %parallel_loop3A_157 : i32 to vector<16xi32>
        %parallel_loop3A_159 = arith.addi %parallel_loop3A_156, %parallel_loop3A_158 : vector<16xi32>
        %parallel_loop3A_160 = arith.constant 1 : i32
        %parallel_loop3A_161 = vector.broadcast %parallel_loop3A_160 : i32 to vector<16xi32>
        %parallel_loop3A_162 = arith.addi %parallel_loop3A_148, %parallel_loop3A_161 : vector<16xi32>
        %parallel_loop3A_163 = arith.xori %parallel_loop3A_148, %parallel_loop3A_156 : vector<16xi32>
        %parallel_loop3A_164 = arith.constant 32767 : i32
        %parallel_loop3A_165 = vector.broadcast %parallel_loop3A_164 : i32 to vector<16xi32>
        %parallel_loop3A_166 = arith.andi %parallel_loop3A_163, %parallel_loop3A_165 : vector<16xi32>
        %parallel_loop3A_167 = arith.xori %parallel_loop3A_148, %parallel_loop3A_159 : vector<16xi32>
        %parallel_loop3A_168 = arith.constant 32767 : i32
        %parallel_loop3A_169 = vector.broadcast %parallel_loop3A_168 : i32 to vector<16xi32>
        %parallel_loop3A_170 = arith.andi %parallel_loop3A_167, %parallel_loop3A_169 : vector<16xi32>
        %parallel_loop3A_171 = arith.xori %parallel_loop3A_162, %parallel_loop3A_156 : vector<16xi32>
        %parallel_loop3A_172 = arith.constant 32767 : i32
        %parallel_loop3A_173 = vector.broadcast %parallel_loop3A_172 : i32 to vector<16xi32>
        %parallel_loop3A_174 = arith.andi %parallel_loop3A_171, %parallel_loop3A_173 : vector<16xi32>
        %parallel_loop3A_175 = arith.xori %parallel_loop3A_162, %parallel_loop3A_159 : vector<16xi32>
        %parallel_loop3A_176 = arith.constant 32767 : i32
        %parallel_loop3A_177 = vector.broadcast %parallel_loop3A_176 : i32 to vector<16xi32>
        %parallel_loop3A_178 = arith.andi %parallel_loop3A_175, %parallel_loop3A_177 : vector<16xi32>
        %parallel_loop3A_179 = arith.constant 1.000000e+00 : f32
        %parallel_loop3A_180 = vector.broadcast %parallel_loop3A_179 : f32 to vector<16xf32>
        %parallel_loop3A_181 = arith.subf %parallel_loop3A_180, %parallel_loop3A_151 : vector<16xf32>
        %parallel_loop3A_182 = arith.constant 1.000000e+00 : f32
        %parallel_loop3A_183 = vector.broadcast %parallel_loop3A_182 : f32 to vector<16xf32>
        %parallel_loop3A_184 = arith.subf %parallel_loop3A_183, %parallel_loop3A_153 : vector<16xf32>
        %parallel_loop3A_185 = arith.mulf %parallel_loop3A_181, %parallel_loop3A_184 : vector<16xf32>
        %parallel_loop3A_186 = arith.mulf %parallel_loop3A_181, %parallel_loop3A_153 : vector<16xf32>
        %parallel_loop3A_187 = arith.mulf %parallel_loop3A_151, %parallel_loop3A_184 : vector<16xf32>
        %parallel_loop3A_188 = arith.mulf %parallel_loop3A_151, %parallel_loop3A_153 : vector<16xf32>
        %parallel_loop3A_189 = tpu.vector_load_idx %arg6[%parallel_loop3A_166] : memref<32768xi32, #tpu.memory_space<vmem>>[vector<16xi32>], vector<16xi32>,
        %parallel_loop3A_190 = tpu.vector_load_idx %arg6[%parallel_loop3A_170] : memref<32768xi32, #tpu.memory_space<vmem>>[vector<16xi32>], vector<16xi32>,
        %parallel_loop3A_191 = tpu.vector_load_idx %arg6[%parallel_loop3A_174] : memref<32768xi32, #tpu.memory_space<vmem>>[vector<16xi32>], vector<16xi32>,
        %parallel_loop3A_192 = tpu.vector_load_idx %arg6[%parallel_loop3A_178] : memref<32768xi32, #tpu.memory_space<vmem>>[vector<16xi32>], vector<16xi32>,
        %parallel_loop3A_193 = arith.constant 16 : i32
        %parallel_loop3A_194 = vector.broadcast %parallel_loop3A_193 : i32 to vector<16xi32>
        %parallel_loop3A_195 = arith.shli %parallel_loop3A_189, %parallel_loop3A_194 : vector<16xi32>
        %parallel_loop3A_196 = vector.bitcast %parallel_loop3A_195 : vector<16xi32> to vector<16xf32>
        %parallel_loop3A_197 = arith.mulf %parallel_loop3A_196, %parallel_loop3A_185 : vector<16xf32>
        %parallel_loop3A_198 = arith.constant 16 : i32
        %parallel_loop3A_199 = vector.broadcast %parallel_loop3A_198 : i32 to vector<16xi32>
        %parallel_loop3A_200 = arith.shli %parallel_loop3A_190, %parallel_loop3A_199 : vector<16xi32>
        %parallel_loop3A_201 = vector.bitcast %parallel_loop3A_200 : vector<16xi32> to vector<16xf32>
        %parallel_loop3A_202 = arith.mulf %parallel_loop3A_201, %parallel_loop3A_186 : vector<16xf32>
        %parallel_loop3A_203 = arith.addf %parallel_loop3A_197, %parallel_loop3A_202 : vector<16xf32>
        %parallel_loop3A_204 = arith.constant 16 : i32
        %parallel_loop3A_205 = vector.broadcast %parallel_loop3A_204 : i32 to vector<16xi32>
        %parallel_loop3A_206 = arith.shli %parallel_loop3A_191, %parallel_loop3A_205 : vector<16xi32>
        %parallel_loop3A_207 = vector.bitcast %parallel_loop3A_206 : vector<16xi32> to vector<16xf32>
        %parallel_loop3A_208 = arith.mulf %parallel_loop3A_207, %parallel_loop3A_187 : vector<16xf32>
        %parallel_loop3A_209 = arith.addf %parallel_loop3A_203, %parallel_loop3A_208 : vector<16xf32>
        %parallel_loop3A_210 = arith.constant 16 : i32
        %parallel_loop3A_211 = vector.broadcast %parallel_loop3A_210 : i32 to vector<16xi32>
        %parallel_loop3A_212 = arith.shli %parallel_loop3A_192, %parallel_loop3A_211 : vector<16xi32>
        %parallel_loop3A_213 = vector.bitcast %parallel_loop3A_212 : vector<16xi32> to vector<16xf32>
        %parallel_loop3A_214 = arith.mulf %parallel_loop3A_213, %parallel_loop3A_188 : vector<16xf32>
        %parallel_loop3A_215 = arith.addf %parallel_loop3A_209, %parallel_loop3A_214 : vector<16xf32>
        %parallel_loop3A_216 = arith.constant -65536 : i32
        %parallel_loop3A_217 = vector.broadcast %parallel_loop3A_216 : i32 to vector<16xi32>
        %parallel_loop3A_218 = arith.andi %parallel_loop3A_189, %parallel_loop3A_217 : vector<16xi32>
        %parallel_loop3A_219 = vector.bitcast %parallel_loop3A_218 : vector<16xi32> to vector<16xf32>
        %parallel_loop3A_220 = arith.mulf %parallel_loop3A_219, %parallel_loop3A_185 : vector<16xf32>
        %parallel_loop3A_221 = arith.constant -65536 : i32
        %parallel_loop3A_222 = vector.broadcast %parallel_loop3A_221 : i32 to vector<16xi32>
        %parallel_loop3A_223 = arith.andi %parallel_loop3A_190, %parallel_loop3A_222 : vector<16xi32>
        %parallel_loop3A_224 = vector.bitcast %parallel_loop3A_223 : vector<16xi32> to vector<16xf32>
        %parallel_loop3A_225 = arith.mulf %parallel_loop3A_224, %parallel_loop3A_186 : vector<16xf32>
        %parallel_loop3A_226 = arith.addf %parallel_loop3A_220, %parallel_loop3A_225 : vector<16xf32>
        %parallel_loop3A_227 = arith.constant -65536 : i32
        %parallel_loop3A_228 = vector.broadcast %parallel_loop3A_227 : i32 to vector<16xi32>
        %parallel_loop3A_229 = arith.andi %parallel_loop3A_191, %parallel_loop3A_228 : vector<16xi32>
        %parallel_loop3A_230 = vector.bitcast %parallel_loop3A_229 : vector<16xi32> to vector<16xf32>
        %parallel_loop3A_231 = arith.mulf %parallel_loop3A_230, %parallel_loop3A_187 : vector<16xf32>
        %parallel_loop3A_232 = arith.addf %parallel_loop3A_226, %parallel_loop3A_231 : vector<16xf32>
        %parallel_loop3A_233 = arith.constant -65536 : i32
        %parallel_loop3A_234 = vector.broadcast %parallel_loop3A_233 : i32 to vector<16xi32>
        %parallel_loop3A_235 = arith.andi %parallel_loop3A_192, %parallel_loop3A_234 : vector<16xi32>
        %parallel_loop3A_236 = vector.bitcast %parallel_loop3A_235 : vector<16xi32> to vector<16xf32>
        %parallel_loop3A_237 = arith.mulf %parallel_loop3A_236, %parallel_loop3A_188 : vector<16xf32>
        %parallel_loop3A_238 = arith.addf %parallel_loop3A_232, %parallel_loop3A_237 : vector<16xf32>
        %parallel_loop3A_239 = tpu.pack_subelements %parallel_loop3A_215, %parallel_loop3A_238 {pack_format = #tpu.pack_format<interleaved>, positions = array<i32: 0, 1>} : vector<16xf32>, vector<16xf32> -> vector<32xbf16>
        %parallel_loop3A_240 = vector.bitcast %parallel_loop3A_239 : vector<32xbf16> to vector<16xi32>
        %parallel_loop3A_241 = arith.index_cast %parallel_loop3A_141 : i32 to index
        %parallel_loop3A_242 = tpu.vector_load %arg9[%parallel_loop3A_241] {strides = array<i32>} : memref<8192xi32, #tpu.memory_space<vmem>>, vector<16xi32>,
        tpu.vector_store %arg9[%parallel_loop3A_241], %parallel_loop3A_240 {strides = array<i32>} : memref<8192xi32, #tpu.memory_space<vmem>>, vector<16xi32>,
      } {sc.loop_unroll_factor = 6 : i64, sc.parallel_access}
      %mul3A_93 = arith.constant 8192 : i32
      %mul3A_94 = arith.muli %add3A_81, %mul3A_93 : i32
      %add3A_95 = arith.addi %mul3A_49, %mul3A_94 : i32
      %dma_start3A_96 = tpu.memref_slice %arg5[%arg1, %add3A_95] : memref<16x262144xi32, #tpu.memory_space<hbm>> -> memref<1x8192xi32, #tpu.memory_space<hbm>>
      %dma_start3A_97 = tpu.memref_squeeze %dma_start3A_96 : memref<1x8192xi32, #tpu.memory_space<hbm>> -> memref<8192xi32, #tpu.memory_space<hbm>>
      %dma_start3A_98 = tpu.memref_slice %arg5[%arg1, %add3A_95] : memref<16x262144xi32, #tpu.memory_space<hbm>> -> memref<1x8192xi32, #tpu.memory_space<hbm>>
      %dma_start3A_99 = tpu.memref_squeeze %dma_start3A_98 : memref<1x8192xi32, #tpu.memory_space<hbm>> -> memref<8192xi32, #tpu.memory_space<hbm>>
      tpu.enqueue_dma source(%arg9 : memref<8192xi32, #tpu.memory_space<vmem>>) target(%dma_start3A_99 : memref<8192xi32, #tpu.memory_space<hbm>>) target_semaphore(%arg15 : memref<!tpu.dma_semaphore, #tpu.memory_space<semaphore_mem>>)
      %add3A_100 = arith.constant 2 : i32
      %add3A_101 = arith.addi %add3A_81, %add3A_100 : i32
      %lt3A = arith.constant 16 : i32
      %lt3A_102 = arith.cmpi slt, %add3A_101, %lt3A : i32
      %convert_element_type3A_103 = arith.extui %lt3A_102 : i1 to i32
      %cond3A_104 = arith.constant 0 : i32
      %cond3A_105 = arith.cmpi ne, %convert_element_type3A_103, %cond3A_104 : i32
      scf.if %cond3A_105 {
        %add3A_139 = arith.constant 2 : i32
        %add3A_140 = arith.addi %add3A_81, %add3A_139 : i32
        %mul3A_141 = arith.constant 8192 : i32
        %mul3A_142 = arith.muli %add3A_140, %mul3A_141 : i32
        %add3A_143 = arith.addi %add3A_47, %mul3A_142 : i32
        %dma_start3A_144 = tpu.memref_slice %arg2[%add3A_143] : memref<262144xf32, #tpu.memory_space<hbm>> -> memref<8192xf32, #tpu.memory_space<hbm>>
        %dma_start3A_145 = tpu.memref_slice %arg2[%add3A_143] : memref<262144xf32, #tpu.memory_space<hbm>> -> memref<8192xf32, #tpu.memory_space<hbm>>
        tpu.enqueue_dma source(%dma_start3A_145 : memref<8192xf32, #tpu.memory_space<hbm>>) target(%arg7 : memref<8192xf32, #tpu.memory_space<vmem>>) target_semaphore(%arg13 : memref<!tpu.dma_semaphore, #tpu.memory_space<semaphore_mem>>)
        %dma_start3A_146 = tpu.memref_slice %arg3[%add3A_143] : memref<262144xf32, #tpu.memory_space<hbm>> -> memref<8192xf32, #tpu.memory_space<hbm>>
        %dma_start3A_147 = tpu.memref_slice %arg3[%add3A_143] : memref<262144xf32, #tpu.memory_space<hbm>> -> memref<8192xf32, #tpu.memory_space<hbm>>
        tpu.enqueue_dma source(%dma_start3A_147 : memref<8192xf32, #tpu.memory_space<hbm>>) target(%arg8 : memref<8192xf32, #tpu.memory_space<vmem>>) target_semaphore(%arg13 : memref<!tpu.dma_semaphore, #tpu.memory_space<semaphore_mem>>)
      } else {
      }
      %mul3A_106 = arith.constant 2 : i32
      %mul3A_107 = arith.muli %scan3A_77, %mul3A_106 : i32
      %add3A_108 = arith.constant 1 : i32
      %add3A_109 = arith.addi %mul3A_107, %add3A_108 : i32
      %mul3A_110 = arith.constant 8192 : i32
      %mul3A_111 = arith.muli %add3A_109, %mul3A_110 : i32
      %add3A_112 = arith.addi %add3A_47, %mul3A_111 : i32
      %dma_wait3A_113 = tpu.memref_slice %arg2[%add3A_112] : memref<262144xf32, #tpu.memory_space<hbm>> -> memref<8192xf32, #tpu.memory_space<hbm>>
      %dma_wait3A_114 = tpu.memref_slice %arg2[%add3A_112] : memref<262144xf32, #tpu.memory_space<hbm>> -> memref<8192xf32, #tpu.memory_space<hbm>>
      tpu.wait_dma2 semaphore(%arg14 : memref<!tpu.dma_semaphore, #tpu.memory_space<semaphore_mem>>) src(%dma_wait3A_114 : memref<8192xf32, #tpu.memory_space<hbm>>) dst(%arg10 : memref<8192xf32, #tpu.memory_space<vmem>>)
      %dma_wait3A_115 = tpu.memref_slice %arg3[%add3A_112] : memref<262144xf32, #tpu.memory_space<hbm>> -> memref<8192xf32, #tpu.memory_space<hbm>>
      %dma_wait3A_116 = tpu.memref_slice %arg3[%add3A_112] : memref<262144xf32, #tpu.memory_space<hbm>> -> memref<8192xf32, #tpu.memory_space<hbm>>
      tpu.wait_dma2 semaphore(%arg14 : memref<!tpu.dma_semaphore, #tpu.memory_space<semaphore_mem>>) src(%dma_wait3A_116 : memref<8192xf32, #tpu.memory_space<hbm>>) dst(%arg11 : memref<8192xf32, #tpu.memory_space<vmem>>)
      %gt3A_117 = arith.constant 0 : i32
      %gt3A_118 = arith.cmpi sgt, %scan3A_77, %gt3A_117 : i32
      %convert_element_type3A_119 = arith.extui %gt3A_118 : i1 to i32
      %cond3A_120 = arith.constant 0 : i32
      %cond3A_121 = arith.cmpi ne, %convert_element_type3A_119, %cond3A_120 : i32
      scf.if %cond3A_121 {
        %mul3A_139 = arith.constant 8192 : i32
        %mul3A_140 = arith.muli %add3A_109, %mul3A_139 : i32
        %add3A_141 = arith.addi %mul3A_49, %mul3A_140 : i32
        %dma_wait3A_142 = tpu.memref_slice %arg5[%arg1, %add3A_141] : memref<16x262144xi32, #tpu.memory_space<hbm>> -> memref<1x8192xi32, #tpu.memory_space<hbm>>
        %dma_wait3A_143 = tpu.memref_squeeze %dma_wait3A_142 : memref<1x8192xi32, #tpu.memory_space<hbm>> -> memref<8192xi32, #tpu.memory_space<hbm>>
        %dma_wait3A_144 = tpu.memref_slice %arg5[%arg1, %add3A_141] : memref<16x262144xi32, #tpu.memory_space<hbm>> -> memref<1x8192xi32, #tpu.memory_space<hbm>>
        %dma_wait3A_145 = tpu.memref_squeeze %dma_wait3A_144 : memref<1x8192xi32, #tpu.memory_space<hbm>> -> memref<8192xi32, #tpu.memory_space<hbm>>
        tpu.wait_dma2 semaphore(%arg16 : memref<!tpu.dma_semaphore, #tpu.memory_space<semaphore_mem>>) src(%arg12 : memref<8192xi32, #tpu.memory_space<vmem>>) dst(%dma_wait3A_145 : memref<8192xi32, #tpu.memory_space<hbm>>)
      } else {
      }
      %parallel_loop3A_122 = arith.constant 0 : i32
      %parallel_loop3A_123 = arith.constant 512 : i32
      %parallel_loop3A_124 = arith.constant 1 : i32
      scf.for %parallel_loop3A_139 = %parallel_loop3A_122 to %parallel_loop3A_123 step %parallel_loop3A_124  : i32 {
        %parallel_loop3A_140 = arith.constant 16 : i32
        %parallel_loop3A_141 = arith.muli %parallel_loop3A_139, %parallel_loop3A_140 : i32
        %parallel_loop3A_142 = arith.index_cast %parallel_loop3A_141 : i32 to index
        %parallel_loop3A_143 = tpu.vector_load %arg10[%parallel_loop3A_142] {strides = array<i32>} : memref<8192xf32, #tpu.memory_space<vmem>>, vector<16xf32>,
        %parallel_loop3A_144 = arith.index_cast %parallel_loop3A_141 : i32 to index
        %parallel_loop3A_145 = tpu.vector_load %arg11[%parallel_loop3A_144] {strides = array<i32>} : memref<8192xf32, #tpu.memory_space<vmem>>, vector<16xf32>,
        %parallel_loop3A_146 = arith.mulf %parallel_loop3A_143, %mul3A_44 : vector<16xf32>
        %parallel_loop3A_147 = arith.mulf %parallel_loop3A_145, %mul3A_44 : vector<16xf32>
        %parallel_loop3A_148 = arith.fptosi %parallel_loop3A_146 : vector<16xf32> to vector<16xi32>
        %parallel_loop3A_149 = arith.fptosi %parallel_loop3A_147 : vector<16xf32> to vector<16xi32>
        %parallel_loop3A_150 = arith.sitofp %parallel_loop3A_148 : vector<16xi32> to vector<16xf32>
        %parallel_loop3A_151 = arith.subf %parallel_loop3A_146, %parallel_loop3A_150 : vector<16xf32>
        %parallel_loop3A_152 = arith.sitofp %parallel_loop3A_149 : vector<16xi32> to vector<16xf32>
        %parallel_loop3A_153 = arith.subf %parallel_loop3A_147, %parallel_loop3A_152 : vector<16xf32>
        %parallel_loop3A_154 = arith.constant -1640531535 : i32
        %parallel_loop3A_155 = vector.broadcast %parallel_loop3A_154 : i32 to vector<16xi32>
        %parallel_loop3A_156 = arith.muli %parallel_loop3A_149, %parallel_loop3A_155 : vector<16xi32>
        %parallel_loop3A_157 = arith.constant -1640531535 : i32
        %parallel_loop3A_158 = vector.broadcast %parallel_loop3A_157 : i32 to vector<16xi32>
        %parallel_loop3A_159 = arith.addi %parallel_loop3A_156, %parallel_loop3A_158 : vector<16xi32>
        %parallel_loop3A_160 = arith.constant 1 : i32
        %parallel_loop3A_161 = vector.broadcast %parallel_loop3A_160 : i32 to vector<16xi32>
        %parallel_loop3A_162 = arith.addi %parallel_loop3A_148, %parallel_loop3A_161 : vector<16xi32>
        %parallel_loop3A_163 = arith.xori %parallel_loop3A_148, %parallel_loop3A_156 : vector<16xi32>
        %parallel_loop3A_164 = arith.constant 32767 : i32
        %parallel_loop3A_165 = vector.broadcast %parallel_loop3A_164 : i32 to vector<16xi32>
        %parallel_loop3A_166 = arith.andi %parallel_loop3A_163, %parallel_loop3A_165 : vector<16xi32>
        %parallel_loop3A_167 = arith.xori %parallel_loop3A_148, %parallel_loop3A_159 : vector<16xi32>
        %parallel_loop3A_168 = arith.constant 32767 : i32
        %parallel_loop3A_169 = vector.broadcast %parallel_loop3A_168 : i32 to vector<16xi32>
        %parallel_loop3A_170 = arith.andi %parallel_loop3A_167, %parallel_loop3A_169 : vector<16xi32>
        %parallel_loop3A_171 = arith.xori %parallel_loop3A_162, %parallel_loop3A_156 : vector<16xi32>
        %parallel_loop3A_172 = arith.constant 32767 : i32
        %parallel_loop3A_173 = vector.broadcast %parallel_loop3A_172 : i32 to vector<16xi32>
        %parallel_loop3A_174 = arith.andi %parallel_loop3A_171, %parallel_loop3A_173 : vector<16xi32>
        %parallel_loop3A_175 = arith.xori %parallel_loop3A_162, %parallel_loop3A_159 : vector<16xi32>
        %parallel_loop3A_176 = arith.constant 32767 : i32
        %parallel_loop3A_177 = vector.broadcast %parallel_loop3A_176 : i32 to vector<16xi32>
        %parallel_loop3A_178 = arith.andi %parallel_loop3A_175, %parallel_loop3A_177 : vector<16xi32>
        %parallel_loop3A_179 = arith.constant 1.000000e+00 : f32
        %parallel_loop3A_180 = vector.broadcast %parallel_loop3A_179 : f32 to vector<16xf32>
        %parallel_loop3A_181 = arith.subf %parallel_loop3A_180, %parallel_loop3A_151 : vector<16xf32>
        %parallel_loop3A_182 = arith.constant 1.000000e+00 : f32
        %parallel_loop3A_183 = vector.broadcast %parallel_loop3A_182 : f32 to vector<16xf32>
        %parallel_loop3A_184 = arith.subf %parallel_loop3A_183, %parallel_loop3A_153 : vector<16xf32>
        %parallel_loop3A_185 = arith.mulf %parallel_loop3A_181, %parallel_loop3A_184 : vector<16xf32>
        %parallel_loop3A_186 = arith.mulf %parallel_loop3A_181, %parallel_loop3A_153 : vector<16xf32>
        %parallel_loop3A_187 = arith.mulf %parallel_loop3A_151, %parallel_loop3A_184 : vector<16xf32>
        %parallel_loop3A_188 = arith.mulf %parallel_loop3A_151, %parallel_loop3A_153 : vector<16xf32>
        %parallel_loop3A_189 = tpu.vector_load_idx %arg6[%parallel_loop3A_166] : memref<32768xi32, #tpu.memory_space<vmem>>[vector<16xi32>], vector<16xi32>,
        %parallel_loop3A_190 = tpu.vector_load_idx %arg6[%parallel_loop3A_170] : memref<32768xi32, #tpu.memory_space<vmem>>[vector<16xi32>], vector<16xi32>,
        %parallel_loop3A_191 = tpu.vector_load_idx %arg6[%parallel_loop3A_174] : memref<32768xi32, #tpu.memory_space<vmem>>[vector<16xi32>], vector<16xi32>,
        %parallel_loop3A_192 = tpu.vector_load_idx %arg6[%parallel_loop3A_178] : memref<32768xi32, #tpu.memory_space<vmem>>[vector<16xi32>], vector<16xi32>,
        %parallel_loop3A_193 = arith.constant 16 : i32
        %parallel_loop3A_194 = vector.broadcast %parallel_loop3A_193 : i32 to vector<16xi32>
        %parallel_loop3A_195 = arith.shli %parallel_loop3A_189, %parallel_loop3A_194 : vector<16xi32>
        %parallel_loop3A_196 = vector.bitcast %parallel_loop3A_195 : vector<16xi32> to vector<16xf32>
        %parallel_loop3A_197 = arith.mulf %parallel_loop3A_196, %parallel_loop3A_185 : vector<16xf32>
        %parallel_loop3A_198 = arith.constant 16 : i32
        %parallel_loop3A_199 = vector.broadcast %parallel_loop3A_198 : i32 to vector<16xi32>
        %parallel_loop3A_200 = arith.shli %parallel_loop3A_190, %parallel_loop3A_199 : vector<16xi32>
        %parallel_loop3A_201 = vector.bitcast %parallel_loop3A_200 : vector<16xi32> to vector<16xf32>
        %parallel_loop3A_202 = arith.mulf %parallel_loop3A_201, %parallel_loop3A_186 : vector<16xf32>
        %parallel_loop3A_203 = arith.addf %parallel_loop3A_197, %parallel_loop3A_202 : vector<16xf32>
        %parallel_loop3A_204 = arith.constant 16 : i32
        %parallel_loop3A_205 = vector.broadcast %parallel_loop3A_204 : i32 to vector<16xi32>
        %parallel_loop3A_206 = arith.shli %parallel_loop3A_191, %parallel_loop3A_205 : vector<16xi32>
        %parallel_loop3A_207 = vector.bitcast %parallel_loop3A_206 : vector<16xi32> to vector<16xf32>
        %parallel_loop3A_208 = arith.mulf %parallel_loop3A_207, %parallel_loop3A_187 : vector<16xf32>
        %parallel_loop3A_209 = arith.addf %parallel_loop3A_203, %parallel_loop3A_208 : vector<16xf32>
        %parallel_loop3A_210 = arith.constant 16 : i32
        %parallel_loop3A_211 = vector.broadcast %parallel_loop3A_210 : i32 to vector<16xi32>
        %parallel_loop3A_212 = arith.shli %parallel_loop3A_192, %parallel_loop3A_211 : vector<16xi32>
        %parallel_loop3A_213 = vector.bitcast %parallel_loop3A_212 : vector<16xi32> to vector<16xf32>
        %parallel_loop3A_214 = arith.mulf %parallel_loop3A_213, %parallel_loop3A_188 : vector<16xf32>
        %parallel_loop3A_215 = arith.addf %parallel_loop3A_209, %parallel_loop3A_214 : vector<16xf32>
        %parallel_loop3A_216 = arith.constant -65536 : i32
        %parallel_loop3A_217 = vector.broadcast %parallel_loop3A_216 : i32 to vector<16xi32>
        %parallel_loop3A_218 = arith.andi %parallel_loop3A_189, %parallel_loop3A_217 : vector<16xi32>
        %parallel_loop3A_219 = vector.bitcast %parallel_loop3A_218 : vector<16xi32> to vector<16xf32>
        %parallel_loop3A_220 = arith.mulf %parallel_loop3A_219, %parallel_loop3A_185 : vector<16xf32>
        %parallel_loop3A_221 = arith.constant -65536 : i32
        %parallel_loop3A_222 = vector.broadcast %parallel_loop3A_221 : i32 to vector<16xi32>
        %parallel_loop3A_223 = arith.andi %parallel_loop3A_190, %parallel_loop3A_222 : vector<16xi32>
        %parallel_loop3A_224 = vector.bitcast %parallel_loop3A_223 : vector<16xi32> to vector<16xf32>
        %parallel_loop3A_225 = arith.mulf %parallel_loop3A_224, %parallel_loop3A_186 : vector<16xf32>
        %parallel_loop3A_226 = arith.addf %parallel_loop3A_220, %parallel_loop3A_225 : vector<16xf32>
        %parallel_loop3A_227 = arith.constant -65536 : i32
        %parallel_loop3A_228 = vector.broadcast %parallel_loop3A_227 : i32 to vector<16xi32>
        %parallel_loop3A_229 = arith.andi %parallel_loop3A_191, %parallel_loop3A_228 : vector<16xi32>
        %parallel_loop3A_230 = vector.bitcast %parallel_loop3A_229 : vector<16xi32> to vector<16xf32>
        %parallel_loop3A_231 = arith.mulf %parallel_loop3A_230, %parallel_loop3A_187 : vector<16xf32>
        %parallel_loop3A_232 = arith.addf %parallel_loop3A_226, %parallel_loop3A_231 : vector<16xf32>
        %parallel_loop3A_233 = arith.constant -65536 : i32
        %parallel_loop3A_234 = vector.broadcast %parallel_loop3A_233 : i32 to vector<16xi32>
        %parallel_loop3A_235 = arith.andi %parallel_loop3A_192, %parallel_loop3A_234 : vector<16xi32>
        %parallel_loop3A_236 = vector.bitcast %parallel_loop3A_235 : vector<16xi32> to vector<16xf32>
        %parallel_loop3A_237 = arith.mulf %parallel_loop3A_236, %parallel_loop3A_188 : vector<16xf32>
        %parallel_loop3A_238 = arith.addf %parallel_loop3A_232, %parallel_loop3A_237 : vector<16xf32>
        %parallel_loop3A_239 = tpu.pack_subelements %parallel_loop3A_215, %parallel_loop3A_238 {pack_format = #tpu.pack_format<interleaved>, positions = array<i32: 0, 1>} : vector<16xf32>, vector<16xf32> -> vector<32xbf16>
        %parallel_loop3A_240 = vector.bitcast %parallel_loop3A_239 : vector<32xbf16> to vector<16xi32>
        %parallel_loop3A_241 = arith.index_cast %parallel_loop3A_141 : i32 to index
        %parallel_loop3A_242 = tpu.vector_load %arg12[%parallel_loop3A_241] {strides = array<i32>} : memref<8192xi32, #tpu.memory_space<vmem>>, vector<16xi32>,
        tpu.vector_store %arg12[%parallel_loop3A_241], %parallel_loop3A_240 {strides = array<i32>} : memref<8192xi32, #tpu.memory_space<vmem>>, vector<16xi32>,
      } {sc.loop_unroll_factor = 6 : i64, sc.parallel_access}
      %mul3A_125 = arith.constant 8192 : i32
      %mul3A_126 = arith.muli %add3A_109, %mul3A_125 : i32
      %add3A_127 = arith.addi %mul3A_49, %mul3A_126 : i32
      %dma_start3A_128 = tpu.memref_slice %arg5[%arg1, %add3A_127] : memref<16x262144xi32, #tpu.memory_space<hbm>> -> memref<1x8192xi32, #tpu.memory_space<hbm>>
      %dma_start3A_129 = tpu.memref_squeeze %dma_start3A_128 : memref<1x8192xi32, #tpu.memory_space<hbm>> -> memref<8192xi32, #tpu.memory_space<hbm>>
      %dma_start3A_130 = tpu.memref_slice %arg5[%arg1, %add3A_127] : memref<16x262144xi32, #tpu.memory_space<hbm>> -> memref<1x8192xi32, #tpu.memory_space<hbm>>
      %dma_start3A_131 = tpu.memref_squeeze %dma_start3A_130 : memref<1x8192xi32, #tpu.memory_space<hbm>> -> memref<8192xi32, #tpu.memory_space<hbm>>
      tpu.enqueue_dma source(%arg12 : memref<8192xi32, #tpu.memory_space<vmem>>) target(%dma_start3A_131 : memref<8192xi32, #tpu.memory_space<hbm>>) target_semaphore(%arg16 : memref<!tpu.dma_semaphore, #tpu.memory_space<semaphore_mem>>)
      %add3A_132 = arith.constant 2 : i32
      %add3A_133 = arith.addi %add3A_109, %add3A_132 : i32
      %lt3A_134 = arith.constant 16 : i32
      %lt3A_135 = arith.cmpi slt, %add3A_133, %lt3A_134 : i32
      %convert_element_type3A_136 = arith.extui %lt3A_135 : i1 to i32
      %cond3A_137 = arith.constant 0 : i32
      %cond3A_138 = arith.cmpi ne, %convert_element_type3A_136, %cond3A_137 : i32
      scf.if %cond3A_138 {
        %add3A_139 = arith.constant 2 : i32
        %add3A_140 = arith.addi %add3A_109, %add3A_139 : i32
        %mul3A_141 = arith.constant 8192 : i32
        %mul3A_142 = arith.muli %add3A_140, %mul3A_141 : i32
        %add3A_143 = arith.addi %add3A_47, %mul3A_142 : i32
        %dma_start3A_144 = tpu.memref_slice %arg2[%add3A_143] : memref<262144xf32, #tpu.memory_space<hbm>> -> memref<8192xf32, #tpu.memory_space<hbm>>
        %dma_start3A_145 = tpu.memref_slice %arg2[%add3A_143] : memref<262144xf32, #tpu.memory_space<hbm>> -> memref<8192xf32, #tpu.memory_space<hbm>>
        tpu.enqueue_dma source(%dma_start3A_145 : memref<8192xf32, #tpu.memory_space<hbm>>) target(%arg10 : memref<8192xf32, #tpu.memory_space<vmem>>) target_semaphore(%arg14 : memref<!tpu.dma_semaphore, #tpu.memory_space<semaphore_mem>>)
        %dma_start3A_146 = tpu.memref_slice %arg3[%add3A_143] : memref<262144xf32, #tpu.memory_space<hbm>> -> memref<8192xf32, #tpu.memory_space<hbm>>
        %dma_start3A_147 = tpu.memref_slice %arg3[%add3A_143] : memref<262144xf32, #tpu.memory_space<hbm>> -> memref<8192xf32, #tpu.memory_space<hbm>>
        tpu.enqueue_dma source(%dma_start3A_147 : memref<8192xf32, #tpu.memory_space<hbm>>) target(%arg11 : memref<8192xf32, #tpu.memory_space<vmem>>) target_semaphore(%arg14 : memref<!tpu.dma_semaphore, #tpu.memory_space<semaphore_mem>>)
      } else {
      }
    }
    %scan3A_65 = arith.constant 8 : i32
    %add3A_66 = arith.constant 114688 : i32
    %add3A_67 = arith.addi %mul3A_49, %add3A_66 : i32
    %dma_wait3A = tpu.memref_slice %arg5[%arg1, %add3A_67] : memref<16x262144xi32, #tpu.memory_space<hbm>> -> memref<1x8192xi32, #tpu.memory_space<hbm>>
    %dma_wait3A_68 = tpu.memref_squeeze %dma_wait3A : memref<1x8192xi32, #tpu.memory_space<hbm>> -> memref<8192xi32, #tpu.memory_space<hbm>>
    %dma_wait3A_69 = tpu.memref_slice %arg5[%arg1, %add3A_67] : memref<16x262144xi32, #tpu.memory_space<hbm>> -> memref<1x8192xi32, #tpu.memory_space<hbm>>
    %dma_wait3A_70 = tpu.memref_squeeze %dma_wait3A_69 : memref<1x8192xi32, #tpu.memory_space<hbm>> -> memref<8192xi32, #tpu.memory_space<hbm>>
    tpu.wait_dma2 semaphore(%arg15 : memref<!tpu.dma_semaphore, #tpu.memory_space<semaphore_mem>>) src(%arg9 : memref<8192xi32, #tpu.memory_space<vmem>>) dst(%dma_wait3A_70 : memref<8192xi32, #tpu.memory_space<hbm>>)
    %add3A_71 = arith.constant 122880 : i32
    %add3A_72 = arith.addi %mul3A_49, %add3A_71 : i32
    %dma_wait3A_73 = tpu.memref_slice %arg5[%arg1, %add3A_72] : memref<16x262144xi32, #tpu.memory_space<hbm>> -> memref<1x8192xi32, #tpu.memory_space<hbm>>
    %dma_wait3A_74 = tpu.memref_squeeze %dma_wait3A_73 : memref<1x8192xi32, #tpu.memory_space<hbm>> -> memref<8192xi32, #tpu.memory_space<hbm>>
    %dma_wait3A_75 = tpu.memref_slice %arg5[%arg1, %add3A_72] : memref<16x262144xi32, #tpu.memory_space<hbm>> -> memref<1x8192xi32, #tpu.memory_space<hbm>>
    %dma_wait3A_76 = tpu.memref_squeeze %dma_wait3A_75 : memref<1x8192xi32, #tpu.memory_space<hbm>> -> memref<8192xi32, #tpu.memory_space<hbm>>
    tpu.wait_dma2 semaphore(%arg16 : memref<!tpu.dma_semaphore, #tpu.memory_space<semaphore_mem>>) src(%arg12 : memref<8192xi32, #tpu.memory_space<vmem>>) dst(%dma_wait3A_76 : memref<8192xi32, #tpu.memory_space<hbm>>)
    return
  }
}

module attributes {stable_mosaic.version = 14 : i64} {
  func.func @_mlp_body(%arg0: i32, %arg1: memref<16x32768xi32, #tpu.memory_space<vmem>>, %arg2: memref<64x16xf32, #tpu.memory_space<vmem>>, %arg3: memref<64x16xf32, #tpu.memory_space<vmem>>, %arg4: memref<64x64xf32, #tpu.memory_space<vmem>>, %arg5: memref<3x64xf32, #tpu.memory_space<vmem>>, %arg6: memref<3x32768xf32, #tpu.memory_space<vmem>>) attributes {dimension_semantics = [#tpu.dimension_semantics<arbitrary>], iteration_bounds = array<i64: 8>, scalar_prefetch = 0 : i64, scratch_operands = 0 : i64, tpu.core_type = #tpu.core_type<tc>, window_params = [{transform_indices = @transform_0, window_bounds = array<i64: 16, 32768>}, {pipeline_mode = #tpu.pipeline_mode<synchronous>, transform_indices = @transform_1, window_bounds = array<i64: 64, 16>}, {pipeline_mode = #tpu.pipeline_mode<synchronous>, transform_indices = @transform_2, window_bounds = array<i64: 64, 16>}, {pipeline_mode = #tpu.pipeline_mode<synchronous>, transform_indices = @transform_3, window_bounds = array<i64: 64, 64>}, {pipeline_mode = #tpu.pipeline_mode<synchronous>, transform_indices = @transform_4, window_bounds = array<i64: 3, 64>}, {transform_indices = @transform_5, window_bounds = array<i64: 3, 32768>}]} {
    %get3A = arith.constant 0 : index
    %get3A_0 = arith.constant 0 : index
    %get3A_1 = vector.load %arg1[%get3A, %get3A_0] : memref<16x32768xi32, #tpu.memory_space<vmem>>, vector<16x32768xi32>
    %shift_left3A = arith.constant 16 : i32
    %shift_left3A_2 = vector.broadcast %shift_left3A : i32 to vector<16x32768xi32>
    %shift_left3A_3 = arith.shli %get3A_1, %shift_left3A_2 : vector<16x32768xi32>
    %bitcast_convert_type3A = tpu.bitcast %shift_left3A_3 : vector<16x32768xi32> -> vector<16x32768xf32>
    %and3A = arith.constant -65536 : i32
    %and3A_4 = vector.broadcast %and3A : i32 to vector<16x32768xi32>
    %and3A_5 = arith.andi %get3A_1, %and3A_4 : vector<16x32768xi32>
    %bitcast_convert_type3A_6 = tpu.bitcast %and3A_5 : vector<16x32768xi32> -> vector<16x32768xf32>
    %get3A_7 = arith.constant 0 : index
    %get3A_8 = arith.constant 0 : index
    %get3A_9 = vector.load %arg2[%get3A_7, %get3A_8] : memref<64x16xf32, #tpu.memory_space<vmem>>, vector<64x16xf32>
    %dot_general3A = arith.constant dense<0.000000e+00> : vector<64x32768xf32>
    %dot_general3A_10 = tpu.matmul %get3A_9, %bitcast_convert_type3A, %dot_general3A {dimension_numbers = #tpu.dot_dimension_numbers<[1], [0], [0], [1], [0, 0, 1, 1], [], []>, transpose_lhs_hint = false} : vector<64x16xf32>, vector<16x32768xf32>, vector<64x32768xf32> -> vector<64x32768xf32>
    %get3A_11 = arith.constant 0 : index
    %get3A_12 = arith.constant 0 : index
    %get3A_13 = vector.load %arg3[%get3A_11, %get3A_12] : memref<64x16xf32, #tpu.memory_space<vmem>>, vector<64x16xf32>
    %dot_general3A_14 = arith.constant dense<0.000000e+00> : vector<64x32768xf32>
    %dot_general3A_15 = tpu.matmul %get3A_13, %bitcast_convert_type3A_6, %dot_general3A_14 {dimension_numbers = #tpu.dot_dimension_numbers<[1], [0], [0], [1], [0, 0, 1, 1], [], []>, transpose_lhs_hint = false} : vector<64x16xf32>, vector<16x32768xf32>, vector<64x32768xf32> -> vector<64x32768xf32>
    %add3A = arith.addf %dot_general3A_10, %dot_general3A_15 : vector<64x32768xf32>
    %max3A = arith.constant 0.000000e+00 : f32
    %max3A_16 = vector.broadcast %max3A : f32 to vector<64x32768xf32>
    %max3A_17 = arith.maximumf %add3A, %max3A_16 : vector<64x32768xf32>
    %get3A_18 = arith.constant 0 : index
    %get3A_19 = arith.constant 0 : index
    %get3A_20 = vector.load %arg4[%get3A_18, %get3A_19] : memref<64x64xf32, #tpu.memory_space<vmem>>, vector<64x64xf32>
    %dot_general3A_21 = arith.constant dense<0.000000e+00> : vector<64x32768xf32>
    %dot_general3A_22 = tpu.matmul %get3A_20, %max3A_17, %dot_general3A_21 {dimension_numbers = #tpu.dot_dimension_numbers<[1], [0], [0], [1], [0, 0, 1, 1], [], []>, transpose_lhs_hint = false} : vector<64x64xf32>, vector<64x32768xf32>, vector<64x32768xf32> -> vector<64x32768xf32>
    %max3A_23 = arith.constant 0.000000e+00 : f32
    %max3A_24 = vector.broadcast %max3A_23 : f32 to vector<64x32768xf32>
    %max3A_25 = arith.maximumf %dot_general3A_22, %max3A_24 : vector<64x32768xf32>
    %get3A_26 = arith.constant 0 : index
    %get3A_27 = arith.constant 0 : index
    %get3A_28 = vector.load %arg5[%get3A_26, %get3A_27] : memref<3x64xf32, #tpu.memory_space<vmem>>, vector<3x64xf32>
    %dot_general3A_29 = arith.constant dense<0.000000e+00> : vector<3x32768xf32>
    %dot_general3A_30 = tpu.matmul %get3A_28, %max3A_25, %dot_general3A_29 {dimension_numbers = #tpu.dot_dimension_numbers<[1], [0], [0], [1], [0, 0, 1, 1], [], []>, transpose_lhs_hint = false} : vector<3x64xf32>, vector<64x32768xf32>, vector<3x32768xf32> -> vector<3x32768xf32>
    %swap3A = arith.constant 0 : index
    %swap3A_31 = arith.constant 0 : index
    %swap3A_32 = vector.load %arg6[%swap3A, %swap3A_31] : memref<3x32768xf32, #tpu.memory_space<vmem>>, vector<3x32768xf32>
    tpu.vector_store %arg6[%swap3A, %swap3A_31], %dot_general3A_30 {strides = array<i32>} : memref<3x32768xf32, #tpu.memory_space<vmem>>, vector<3x32768xf32>,
    return
  }
  func.func @transform_0(%arg0: i32) -> (i32, i32) {
    %c0_i32 = arith.constant 0 : i32
    %c0_i32_0 = arith.constant 0 : i32
    return %c0_i32, %arg0 : i32, i32
  }
  func.func @transform_1(%arg0: i32) -> (i32, i32) {
    %c0_i32 = arith.constant 0 : i32
    %c0_i32_0 = arith.constant 0 : i32
    %c0_i32_1 = arith.constant 0 : i32
    return %c0_i32, %c0_i32_0 : i32, i32
  }
  func.func @transform_2(%arg0: i32) -> (i32, i32) {
    %c0_i32 = arith.constant 0 : i32
    %c0_i32_0 = arith.constant 0 : i32
    %c0_i32_1 = arith.constant 0 : i32
    return %c0_i32, %c0_i32_0 : i32, i32
  }
  func.func @transform_3(%arg0: i32) -> (i32, i32) {
    %c0_i32 = arith.constant 0 : i32
    %c0_i32_0 = arith.constant 0 : i32
    %c0_i32_1 = arith.constant 0 : i32
    return %c0_i32, %c0_i32_0 : i32, i32
  }
  func.func @transform_4(%arg0: i32) -> (i32, i32) {
    %c0_i32 = arith.constant 0 : i32
    %c0_i32_0 = arith.constant 0 : i32
    %c0_i32_1 = arith.constant 0 : i32
    return %c0_i32, %c0_i32_0 : i32, i32
  }
  func.func @transform_5(%arg0: i32) -> (i32, i32) {
    %c0_i32 = arith.constant 0 : i32
    %c0_i32_0 = arith.constant 0 : i32
    return %c0_i32, %arg0 : i32, i32
  }
}

</mosaic_0001>

<sc_bundles>
// kernel: kernel.4.cloned.1.call-start
scs
__scs_entry_jumppad:
0x0: {  	(pc) =	sbr.rel $0x88, $3  }
0x1: {  	(tag) =	ssettag $0x0;
	lr =	simm.s32 $0x1  }
0x2: {  	[smem:$0x3F9C] =	sst lr;
	_ =	strace $0xD0000000  }
0x3: {  	_ = 	snop  }
0x4: {  	_ = 	snop  }
0x5: {  	_ = 	snop  }
0x6: {  	_ = 	snop  }
0x7: {  	_ = 	snop  }
__scs_overlays_trampoline_lowered:
0x8: {  	[smem:$0x3FAB] =	sst s0  }
0x9: {  	[smem:$0x3FAC] =	sst s1  }
0xa: {  	[smem:$0x3FAD] =	sst s2  }
0xb: {  	[smem:$0x3FAE] =	sst s3  }
0xc: {  	[smem:$0x3FAF] =	sst s4  }
0xd: {  	[smem:$0x3FB0] =	sst s5  }
0xe: {  	[smem:$0x3FB1] =	sst s6  }
0xf: {  	[smem:$0x3FB2] =	sst s7  }
0x10: {  	[smem:$0x3FB3] =	sst s8  }
0x11: {  	[smem:$0x3FB4] =	sst s9;
	s0 =	simm.s32 @!p0 $0x0  }
0x12: {  	s1 =	sld [smem:$0x3F9A];
	s0 =	simm.s32 @p0 $0x1  }
0x13: {  	[smem:$0x3FB5] =	sst s0;
	s0 =	simm.s32 @!p1 $0x0  }
0x14: {  	s2 =	sld [smem:$0x3F99];
	s0 =	simm.s32 @p1 $0x1  }
0x15: {  	[smem:$0x3FB6] =	sst s0;
	s0 =	simm.s32 @!p2 $0x0  }
0x16: {  	s3 =	sld [smem:$0x3FDB];
	s0 =	simm.s32 @p2 $0x1  }
0x17: {  	s4 =	simm.s32 $0x1BF5;
	[smem:$0x3FB8] =	sst s0  }
0x18: {  	s0 =	sld [smem:$0x3F9B];
	_ =	swait.ge [sflag:s4], $0x0  }
0x19: {  	s7 =	sld [smem:$0x3F9C]  }
0x1a: {  	s8 =	sadd.s32 $0xFFFFE003, lr  }
0x1b: {  	s9 =	sadd.s32 $0xFFFFFEF7, lr;
	s5 =	simm.s32 $0xFFFFFFFF;
	p2 =	slt.u32 s8, $0xFFFFF086  }
0x1c: {  	p1 =	slt.u32 s9, $0xF7A;
	s5 =	simm.s32 @!p2 $0x0  }
0x1d: {  	s5 =	simm.s32 @p1 $0x1;
	p0 =	seq.s32 s7, s2  }
0x1e: {  	s7 =	smul.u32 @!p0 $0xF7A, s2;
	p2 =	seq.s32 @!p0 s5, $0x0  }
0x1f: {  	s9 =	smul.u32 $0xF7A, s1;
	s8 =	simm.s32 @!p0 $0x1BF5;
	p2 =	por !p2, p0  }
0x20: {  	[sflag:s8] =	ssyncset.s32 @!p0 $0xFFFFF086;
	s6 =	sadd.s32 @!p0 s3, s7;
	s7 =	simm.s32 @!p0 $0x108  }
0x21: {  	s3 =	sadd.s32 s3, s9;
	s6 =	sadd.s32 @!p0 $0x88, s6;
	s7 =	simm.s32 @p2 $0x1082  }
0x22: {  	[simem:s7], [sflag:s8] =	dma.local @!p0 [hbm:s6], $0xF7A  }
0x23: {  	s9 =	sor.u32 $0xD0000000, s2;
	s6 =	simm.s32 $0x108;
	_ =	swait.ge @!p0 [sflag:s8], $0x0  }
0x24: {  	s3 =	sadd.s32 $0x88, s3;
	s6 =	simm.s32 @!p1 $0x1082;
	[sflag:s4] =	ssyncset.s32 $0xFFFFF086  }
0x25: {  	[simem:s6], [sflag:s4] =	dma.local [hbm:s3], $0xF7A  }
0x26: {  	[smem:$0x3F9C] =	sst s1;
	(tag) =	ssettag s2;
	_ =	strace s9  }
0x27: {  	s1 =	sld [smem:$0x3FAC]  }
0x28: {  	s2 =	sld [smem:$0x3FAD]  }
0x29: {  	s4 =	sld [smem:$0x3FAF]  }
0x2a: {  	p0 =	seq.s32 s5, $0x0;
	s5 =	sld [smem:$0x3FB0]  }
0x2b: {  	s6 =	sld [smem:$0x3FB1]  }
0x2c: {  	s7 =	sld [smem:$0x3FB2]  }
0x2d: {  	s3 =	simm.s32 $0x108;
	s8 =	sld [smem:$0x3FB3]  }
0x2e: {  	s3 =	simm.s32 @!p0 $0x1082;
	s9 =	sld [smem:$0x3FB4]  }
0x2f: {  	lr =	sadd.s32 s0, s3;
	s0 =	sld [smem:$0x3FAB]  }
0x30: {  	s3 =	sld [smem:$0x3FAE]  }
0x31: {  	[smem:$0x3FB7] =	sst s10  }
0x32: {  	s10 =	sld [smem:$0x3FB5];
	_ =	sdelay $0x3  }
0x33: {  	p0 =	seq.s32 s10, $0x1;
	s10 =	sld [smem:$0x3FB7];
	_ =	sdelay $0x3  }
0x34: {  	[smem:$0x3FB7] =	sst s10  }
0x35: {  	s10 =	sld [smem:$0x3FB6];
	_ =	sdelay $0x3  }
0x36: {  	p1 =	seq.s32 s10, $0x1;
	s10 =	sld [smem:$0x3FB7];
	_ =	sdelay $0x3  }
0x37: {  	[smem:$0x3FB7] =	sst s10  }
0x38: {  	s10 =	sld [smem:$0x3FB8]  }
0x39: {  	_ = 	snop;
	(pc) =	sbr.ind lr, $3  }
0x3a: {  	_ = 	snop  }
0x3b: {  	_ = 	snop  }
0x3c: {  	p2 =	seq.s32 s10, $0x1;
	s10 =	sld [smem:$0x3FB7]  }
0x3d: {  	_ =	shalt  }
0x3e: {  	_ =	shalt  }
0x3f: {  	_ =	shalt  }
0x40: {  	_ =	shalt  }
0x41: {  	_ =	shalt  }
0x42: {  	_ =	shalt  }
0x43: {  	_ =	shalt  }
0x44: {  	_ =	shalt  }
0x45: {  	_ =	shalt  }
0x46: {  	_ =	shalt  }
0x47: {  	_ =	shalt  }
0x48: {  	_ =	shalt  }
0x49: {  	_ =	shalt  }
0x4a: {  	_ =	shalt  }
0x4b: {  	_ =	shalt  }
0x4c: {  	_ =	shalt  }
0x4d: {  	_ =	shalt  }
0x4e: {  	_ =	shalt  }
0x4f: {  	_ =	shalt  }
0x50: {  	_ =	shalt  }
0x51: {  	_ =	shalt  }
0x52: {  	_ =	shalt  }
0x53: {  	_ =	shalt  }
0x54: {  	_ =	shalt  }
0x55: {  	_ =	shalt  }
0x56: {  	_ =	shalt  }
0x57: {  	_ =	shalt  }
0x58: {  	_ =	shalt  }
0x59: {  	_ =	shalt  }
0x5a: {  	_ =	shalt  }
0x5b: {  	_ =	shalt  }
0x5c: {  	_ =	shalt  }
0x5d: {  	_ =	shalt  }
0x5e: {  	_ =	shalt  }
0x5f: {  	_ =	shalt  }
0x60: {  	_ =	shalt  }
0x61: {  	_ =	shalt  }
0x62: {  	_ =	shalt  }
0x63: {  	_ =	shalt  }
0x64: {  	_ =	shalt  }
0x65: {  	_ =	shalt  }
0x66: {  	_ =	shalt  }
0x67: {  	_ =	shalt  }
0x68: {  	_ =	shalt  }
0x69: {  	_ =	shalt  }
0x6a: {  	_ =	shalt  }
0x6b: {  	_ =	shalt  }
0x6c: {  	_ =	shalt  }
0x6d: {  	_ =	shalt  }
0x6e: {  	_ =	shalt  }
0x6f: {  	_ =	shalt  }
0x70: {  	_ =	shalt  }
0x71: {  	_ =	shalt  }
0x72: {  	_ =	shalt  }
0x73: {  	_ =	shalt  }
0x74: {  	_ =	shalt  }
0x75: {  	_ =	shalt  }
0x76: {  	_ =	shalt  }
0x77: {  	_ =	shalt  }
0x78: {  	_ =	shalt  }
0x79: {  	_ =	shalt  }
0x7a: {  	_ =	shalt  }
0x7b: {  	_ =	shalt  }
0x7c: {  	_ =	shalt  }
0x7d: {  	_ =	shalt  }
0x7e: {  	_ =	shalt  }
0x7f: {  	_ =	shalt  }
0x80: {  	_ =	shalt  }
0x81: {  	_ =	shalt  }
0x82: {  	_ =	shalt  }
0x83: {  	_ =	shalt  }
0x84: {  	_ =	shalt  }
0x85: {  	_ =	shalt  }
0x86: {  	_ =	shalt  }
0x87: {  	_ =	shalt  }
.Lfunc_end0:
.L_simem_size_0:
called_computation_lowered:
.L_overlay_start_0:
0x88: {  	s2 =	sld [smem:$0x3FD9]  }
0x89: {  	s3 =	sld [smem:$0x3FFE];
	_ =	sdelay $0x1  }
0x8a: {  	s1 =	srdreg.scid  }
0x8b: {  	s0 =	sand.u32 $0x1, s1  }
0x8c: {  	s17 =	sshll.u32 s0, $0xA;
	s2 =	sadd.s32 s3, s2  }
0x8d: {  	s2 =	sadd.s32 s2, s17  }
0x8e: {  	[smem:$0x3FC3] =	sst s2  }
0x8f: {  	_ = 	snop  }
0x90: {  	s2 =	sld [smem:$0x3FD0];
	(tm) =	ssettm $0x1  }
0x91: {  	s18 =	sld [smem:$0x3FFB];
	_ =	sdelay $0x3  }
0x92: {  	_ =	strace s18  }
0x93: {  	s3 =	sld [smem:$0x3FFC];
	_ =	sdelay $0x3  }
0x94: {  	_ =	strace s3  }
0x95: {  	s3 =	sld [smem:$0x3FFD];
	_ =	sdelay $0x3  }
0x96: {  	_ =	strace s3  }
0x97: {  	_ =	strace $0x8FFFFFFF  }
0x98: {  	s19 =	sld [smem:$0x3FDB];
	_ =	sdelay $0x1  }
0x99: {  	s4 =	simm.s32 $_scs_section_size  }
0x9a: {  	s5 =	simm.s32 $_size__tile_overlayer_lowered;
	s6 =	simm.s32 $_tile_overlayer_lowered  }
0x9b: {  	s22 =	simm.s32 $0x1BFF;
	s21 =	sshll.u32 s6, $0x1;
	s3 =	sadd.s32 s4, s19  }
0x9c: {  	s7 =	simm.s32 $0x0;
	s20 =	sshll.u32 s5, $0x1;
	s5 =	sadd.s32 s21, s3  }
0x9d: {  	[timem:s7], [sflag:s22] =	dma.local [hbm:s5], s20  }
0x9e: {  	_ =	swait.ge [sflag:s22], s20  }
0x9f: {  	s4 =	ssub.s32 $0x0, s20;
	[sflag:s22] =	ssyncset.done $0x0  }
0xa0: {  	[sflag:s22] =	ssyncadd.s32 s4;
	_ =	sdelay $0x1  }
0xa1: {  	s23 =	simm.s32 $0x1B8B  }
0xa2: {  	_ =	swait.ge [sflag:s23], $0x1  }
0xa3: {  	[sflag:s23] =	ssyncset.done $0x0  }
0xa4: {  	s25 =	simm.s32 $0x1B8E;
	s24 =	sld [smem:$0x3FFE];
	[sflag:s23] =	ssyncadd.s32 $0xFFFFFFFF  }
0xa5: {  	s26 =	simm.s32 $execute0_lowered;
	[smem:$0x3FD2] =	sst s25  }
0xa6: {  	s5 =	sshll.u32 s26, $0x1;
	_ =	strace $0x80000046;
	[dreg:$0x1] =	wrdreg $0xFFFFFFFF  }
0xa7: {  	s28 =	simm.s32 $_size_execute0_lowered;
	s3 =	sadd.s32 s3, s5;
	[dreg:$0x0] =	wrdreg $0x0  }
0xa8: {  	s5 =	sshll.u32 s28, $0x1;
	[dreg:$0x2] =	wrdreg s3  }
0xa9: {  	[dreg:$0x3] =	wrdreg s5  }
0xaa: {  	[dreg:$0x4] =	wrdreg $0xC0  }
0xab: {  	_ =	task [dreg:s7], $0x5FFFF  }
0xac: {  	[dreg:$0x1] =	wrdreg $0xFFFFFFFF  }
0xad: {  	[dreg:$0x0] =	wrdreg $0x60  }
0xae: {  	[dreg:$0x2] =	wrdreg s24  }
0xaf: {  	[dreg:$0x3] =	wrdreg s2  }
0xb0: {  	[dreg:$0x4] =	wrdreg $0x9  }
0xb1: {  	_ =	task.clear_ibuf [dreg:s7], $0x5FFFF;
	_ =	strace $0x90000046  }
0xb2: {  	s29 =	simm.s32 $0x9;
	_ =	strace $0x80000048  }
0xb3: {  	_ =	swait.ge [sflag:s29], $0x1  }
0xb4: {  	[sflag:s29] =	ssyncadd.s32 $0xFFFFFFFF  }
0xb5: {  	_ =	strace $0x90000048  }
0xb6: {  	_ =	sfence  }
0xb7: {  	s30 =	sld [smem:$0x0];
	_ =	sdelay $0x2  }
0xb8: {  	s31 =	sshll.u32 s1, $0xD;
	s1 =	sshrl.u32 s1, $0x2  }
0xb9: {  	s3 =	sand.u32 $0x4000, s31;
	s1 =	sadd.s32 s1, s30  }
0xba: {  	s0 =	sor.u32 s3, s0;
	s1 =	sshll.u32 s1, $0x11  }
0xbb: {  	s0 =	sor.u32 s1, s0  }
0xbc: {  	s0 =	sadd.s32 $0x8F2B, s0  }
0xbd: {  	[sflag:s0] =	ssyncadd.remote.s32 $0x1  }
0xbe: {  	_ =	sfence.sel $0xFFFF  }
0xbf: {  	[dreg:$0x0] =	wrdreg $0xFFFFFFFF;
	(pc) =	sbr.abs _section_cstart, $3  }
0xc0: {  	[dreg:$0x1] =	wrdreg $0xFFFFFFFF  }
0xc1: {  	_ =	task.clear_ibuf [dreg:s7], $0x2FFFF;
	_ =	strace $0x9FFFFFFF  }
0xc2: {  	(tm) =	ssettm $0x7FFFFFFF  }
0xc3: {  	_ =	shalt  }
tec
execute0_lowered:
.L_overlay_start_1:
0x0: {  	(tag) =	ssettag $0x1  }
0x1: {  	s0 =	rddreg [dreg:$0x0]  }
0x2: {  	s1 =	rddreg [dreg:$0x1];
	s2 =	simm.s32 $0x0  }
0x3: {  	s11 =	stileid.u32;
	s4 =	srdreg.scid;
	s16 =	simm.s32 $0x80  }
0x4: {  	s17 =	simm.s32 $0x400;
	s18 =	simm.s32 $0x5;
	s28 =	simm.s32 $0x3  }
0x5: {  	s29 =	simm.s32 $0x4;
	s30 =	simm.s32 $0x0;
	[smem:$0x7FF] =	sst s2  }
0x6: {  	s3 =	sadd.s32 $0x8C00, s0;
	s6 =	sshrl.u32 s11, $0x3;
	s5 =	sshll.u32 s11, $0x7  }
0x7: {  	s7 =	sand.u32 $0x1, s4;
	s4 =	sadd.s32 $0xC00, s0;
	_ =	strace $0x80000047  }
0x8: {  	s8 =	sand.u32 $0x380, s5;
	s20 =	sshll.u32 s6, $0x12;
	s9 =	ssub.s32 $0x2, s7  }
0x9: {  	s5 =	sadd.s32 $0x10C00, s0;
	s22 =	sshll.u32 s7, $0xE;
	s15 =	sshll.u32 s7, $0x11  }
0xa: {  	v0 =	vmov s11;
	s25 =	sshll.u32 s6, $0x15;
	s26 =	sshll.u32 s7, $0x14;
	s10 =	sor.u32 s8, s20  }
0xb: {  	v1 =	vand.u32 $0x1, v0;
	s21 =	sshrl.u32 s9, $0x1;
	s23 =	sadd.s32 s3, s22;
	s24 =	sor.u32 $0x400, s22  }
0xc: {  	vm0 =	veq.s32 v1, $0x0;
	v1 =	vand.u32 $0x2, v0;
	s12 =	sor.u32 $0x4000, s15;
	s13 =	sor.u32 $0x6000, s15;
	s10 =	sshrl.u32 s10, $0x3  }
0xd: {  	v2 =	vimm.f32 $2.400000000e+01;
	s0 =	ssub.s32 s9, s21;
	[dreg:$0x4] =	wrdreg s23;
	s9 =	sadd.s32 s3, s24;
	vm1 =	veq.s32 v1, $0x0;
	v1 =	vimm.f32 $2.250000000e+00  }
0xe: {  	v3 =	vand.u32 $0x4, v0;
	v2 =	vsel vm0, $0x41800000, v2;
	s21 =	simm.s32 $0xE000;
	s23 =	simm.s32 $0x1;
	s1 =	sadd.s32 s1, s10;
	v1 =	vsel vm1, $0x3F800000, v1  }
.Ltmp0:
0xf: {  	vm14 =	veq.s32 v3, $0x0;
	[dreg:$0x3] =	wrdreg s1;
	s1 =	sadd.s32 s4, s22;
	v1 =	vmul.f32 v1, v2;
	v2 =	vimm.f32 $5.062500000e+00;
	(pc) =	sbr.rel .LBB2_1-.Ltmp0, $4  }
0x10: {  	s10 =	sadd.s32 s4, s24;
	[dreg:$0x5] =	wrdreg s1;
	s1 =	sor.u32 s8, s25;
	v2 =	vsel vm14, $0x3F800000, v2  }
0x11: {  	vm15 =	vlt.u32 v0, $0x8;
	v0 =	vimm.f32 $2.562890630e+01;
	s14 =	smax.u32 s0, $0x1;
	s11 =	sor.u32 s26, s1;
	s1 =	sshrl.u32 s1, $0x3;
	v1 =	vmul.f32 v1, v2  }
0x12: {  	v0 =	vsel vm15, $0x3F800000, v0;
	s24 =	simm.s32 $0xC000;
	s22 =	simm.s32 $0x10000;
	s31 =	sor.u32 s1, s15  }
0x13: {  	s25 =	simm.s32 $0x2;
	s26 =	simm.s32 $0x12000;
	s15 =	sadd.s32 s5, s31;
	v0 =	vmul.f32 v1, v0  }
.LBB2_12:
0x14: {  	s30 =	sadd.s32 $0x1, s30  }
0x15: {  	_ =	swait.ge [sflag:s28], $0x2000;
	p0 =	sne.s32 s30, s14  }
.Ltmp1:
0x16: {  	[sflag:s28] =	ssyncset.done $0x0;
	(pc) =	sbr.rel @!p0 .LBB2_13-.Ltmp1, $4  }
0x17: {  	[sflag:s28] =	ssyncadd.s32 $0xFFFFE000  }
0x18: {  	_ =	swait.ge [sflag:s29], $0x2000  }
0x19: {  	[sflag:s29] =	ssyncset.done $0x0  }
0x1a: {  	[sflag:s29] =	ssyncadd.s32 $0xFFFFE000  }
.LBB2_1:
0x1b: {  	s0 =	rddreg [dreg:$0x3]  }
0x1c: {  	[tilespmem:s2], [sflag:$0x5] =	stream.strided.gather [hbm4b:s0+s16], $0x8000, s17, s16, $0x38;
	[tilespmem:$0x14000] =	vst v63  }
0x1d: {  	_ =	swait.ge [sflag:s18], $0x8000  }
0x1e: {  	[sflag:s18] =	ssyncset.done $0x0  }
0x1f: {  	s1 =	simm.s32 $0x8000;
	s8 =	rddreg [dreg:$0x4];
	[sflag:s18] =	ssyncadd.s32 $0xFFFF8000  }
0x20: {  	[tilespmem:s1], [sflag:$0x1] =	stream.linear.gather [hbm4b:s8+s2], $0x2000, $0x38;
	[tilespmem:$0x14000] =	vst v63  }
0x21: {  	s20 =	simm.s32 $0xA000;
	s19 =	rddreg [dreg:$0x5]  }
0x22: {  	[tilespmem:s20], [sflag:$0x1] =	stream.linear.gather [hbm4b:s19+s2], $0x2000, $0x38;
	[tilespmem:$0x14000] =	vst v63  }
0x23: {  	_ = 	snop  }
0x24: {  	[tilespmem:s21], [sflag:$0x2] =	stream.linear.gather [hbm4b:s9+s2], $0x2000, $0x38;
	[tilespmem:$0x14000] =	vst v63  }
0x25: {  	s31 =	simm.s32 $0x0  }
0x26: {  	[tilespmem:s22], [sflag:$0x2] =	stream.linear.gather [hbm4b:s10+s2], $0x2000, $0x38;
	[tilespmem:$0x14000] =	vst v63  }
.LBB2_2:
0x27: {  	_ =	swait.ge [sflag:s23], $0x2000  }
0x28: {  	[sflag:s23] =	ssyncset.done $0x0  }
0x29: {  	[sflag:s23] =	ssyncadd.s32 $0xFFFFE000  }
0x2a: {  	_ =	swait.ge [sflag:s23], $0x2000  }
0x2b: {  	p0 =	seq.s32 s31, $0x0;
	[sflag:s23] =	ssyncset.done $0x0  }
0x2c: {  	s0 =	simm.s32 @!p0 $0x3;
	[sflag:s23] =	ssyncadd.s32 $0xFFFFE000  }
0x2d: {  	_ =	swait.ge @!p0 [sflag:s0], $0x2000  }
0x2e: {  	[sflag:s0] =	ssyncset.done @!p0 $0x0  }
0x2f: {  	s20 =	simm.s32 $0xA030;
	[sflag:s0] =	ssyncadd.s32 @!p0 $0xFFFFE000  }
0x30: {  	v1 =	vld [tilespmem:s20+$0x20]  }
0x31: {  	s19 =	simm.s32 $0x8030;
	v2 =	vld [tilespmem:s20+$0xFFFFFFD0]  }
0x32: {  	v3 =	vld [tilespmem:s19+$0x20]  }
0x33: {  	v5 =	vld [tilespmem:s20+$0xFFFFFFE0]  }
0x34: {  	v6 =	vld [tilespmem:s20+$0xFFFFFFF0]  }
0x35: {  	v18 =	vld [tilespmem:s19+$0xFFFFFFF0]  }
0x36: {  	v23 =	vld [tilespmem:s19+$0x0];
	_ =	sdelay $0x1  }
0x37: {  	v1 =	vmul.f32 v1, v0;
	v4 =	vmul.f32 v2, v0  }
0x38: {  	v7 =	vld [tilespmem:s20+$0x0];
	v9 =	vmul.f32 v3, v0;
	v8 =	vmul.f32 v5, v0  }
0x39: {  	v5 =	vmul.f32 v6, v0;
	v18 =	vmul.f32 v18, v0  }
0x3a: {  	v2 =	vld [tilespmem:s20+$0x10];
	v23 =	vmul.f32 v23, v0;
	v3 =	vtrunc.f32 v1  }
0x3b: {  	v6 =	vtrunc.f32 v9;
	v12 =	vtrunc.f32 v4  }
0x3c: {  	v13 =	vtrunc.f32 v5;
	v51 =	vtrunc.f32 v23  }
0x3d: {  	v10 =	vcvt.f32.s32 v3;
	v3 =	vmul.f32 v7, v0  }
0x3e: {  	v7 =	vcvt.f32.s32 v6;
	v12 =	vcvt.f32.s32 v12  }
0x3f: {  	v13 =	vcvt.f32.s32 v13;
	v11 =	vmul.u32 $0x9E3779B1, v10;
	v6 =	vmul.f32 v2, v0  }
0x40: {  	v2 =	vtrunc.f32 v8;
	v16 =	vtrunc.f32 v3;
	v20 =	vadd.s32 $0x1, v7  }
0x41: {  	v15 =	vld [tilespmem:s19+$0xFFFFFFE0];
	v10 =	vcvt.s32.f32 v10;
	v24 =	vmul.u32 $0x9E3779B1, v12;
	v12 =	vcvt.s32.f32 v12  }
0x42: {  	v26 =	vmul.u32 $0x9E3779B1, v13;
	v13 =	vcvt.s32.f32 v13;
	v2 =	vcvt.f32.s32 v2  }
0x43: {  	v16 =	vcvt.f32.s32 v16;
	v14 =	vxor.u32 v7, v11;
	v17 =	vadd.s32 $0x9E3779B1, v11  }
0x44: {  	v19 =	vtrunc.f32 v6;
	v11 =	vxor.u32 v20, v11;
	v14 =	vand.u32 $0x7FFF, v14  }
0x45: {  	v22 =	vld [tilespmem:s19+$0xFFFFFFD0];
	v1 =	vsub.f32 v1, v10;
	v21 =	vxor.u32 v7, v17;
	v11 =	vand.u32 $0x7FFF, v11  }
0x46: {  	v10 =	vmul.f32 v15, v0;
	v4 =	vsub.f32 v4, v12;
	v21 =	vand.u32 $0x7FFF, v21  }
0x47: {  	v5 =	vsub.f32 v5, v13;
	v17 =	vxor.u32 v20, v17;
	v20 =	vld [tilespmem:s19+$0x10];
	v7 =	vcvt.s32.f32 v7  }
0x48: {  	s1 =	simm.s32 $0x0;
	v19 =	vcvt.f32.s32 v19;
	v15 =	vmul.u32 $0x9E3779B1, v2;
	v17 =	vand.u32 $0x7FFF, v17  }
0x49: {  	v27 =	vmul.u32 $0x9E3779B1, v16;
	v44 =	vcvt.s32.f32 v2;
	v7 =	vsub.f32 v9, v7;
	v14 =	vld.idx.msk [tilespmem:v14+s1+$0x0], $0xffff  }
0x4a: {  	v16 =	vcvt.s32.f32 v16;
	v25 =	vsub.f32 $1.000000000e+00, v1;
	v9 =	vmul.f32 v22, v0;
	v11 =	vld.idx.msk [tilespmem:v11+s1+$0x0], $0xffff  }
0x4b: {  	v28 =	vmul.u32 $0x9E3779B1, v19;
	v31 =	vadd.s32 $0x9E3779B1, v27;
	v22 =	vsub.f32 $1.000000000e+00, v7;
	v21 =	vld.idx.msk [tilespmem:v21+s1+$0x0], $0xffff  }
0x4c: {  	v19 =	vcvt.s32.f32 v19;
	v8 =	vsub.f32 v8, v44;
	v20 =	vmul.f32 v20, v0  }
0x4d: {  	v32 =	vadd.s32 $0x9E3779B1, v28;
	v17 =	vld.idx.msk [tilespmem:v17+s1+$0x0], $0xffff;
	v29 =	vmul.f32 v25, v22;
	v25 =	vmul.f32 v25, v7  }
0x4e: {  	v6 =	vsub.f32 v6, v19;
	v7 =	vmul.f32 v1, v7;
	v1 =	vmul.f32 v1, v22  }
0x4f: {  	v30 =	vshll.u32 v14, $0x10;
	v14 =	vand.u32 $0xFFFF0000, v14;
	v49 =	vshll.u32 v11, $0x10  }
0x50: {  	v11 =	vand.u32 $0xFFFF0000, v11;
	v22 =	vmul.f32 v30, v29;
	v47 =	vshll.u32 v21, $0x10  }
0x51: {  	v14 =	vmul.f32 v14, v29;
	v21 =	vand.u32 $0xFFFF0000, v21;
	v11 =	vmul.f32 v11, v25  }
0x52: {  	v50 =	vshll.u32 v17, $0x10;
	v29 =	vcvt.f32.s32 v51;
	v48 =	vmul.f32 v47, v1  }
0x53: {  	v17 =	vand.u32 $0xFFFF0000, v17;
	v1 =	vmul.f32 v21, v1;
	v21 =	vmul.f32 v49, v25  }
0x54: {  	v25 =	vmul.f32 v50, v7;
	v7 =	vmul.f32 v17, v7;
	v17 =	vadd.s32 $0x9E3779B1, v24  }
0x55: {  	v35 =	vxor.u32 v29, v31;
	v40 =	vxor.u32 v29, v27;
	v22 =	vadd.f32 v22, v48  }
0x56: {  	v46 =	vcvt.s32.f32 v29;
	v29 =	vadd.s32 $0x1, v29;
	v1 =	vadd.f32 v14, v1  }
0x57: {  	v14 =	vtrunc.f32 v9;
	v35 =	vand.u32 $0x7FFF, v35;
	v21 =	vadd.f32 v22, v21  }
0x58: {  	v1 =	vadd.f32 v1, v11;
	v11 =	vtrunc.f32 v10;
	v22 =	vtrunc.f32 v18  }
0x59: {  	v40 =	vand.u32 $0x7FFF, v40;
	v11 =	vcvt.f32.s32 v11;
	v22 =	vcvt.f32.s32 v22  }
0x5a: {  	v21 =	vadd.f32 v21, v25;
	v1 =	vadd.f32 v1, v7;
	v25 =	vtrunc.f32 v20  }
0x5b: {  	v7 =	vcvt.f32.s32 v14;
	v14 =	vadd.s32 $0x9E3779B1, v15;
	v25 =	vcvt.f32.s32 v25  }
0x5c: {  	v33 =	vxor.u32 v11, v14;
	v37 =	vxor.u32 v11, v15;
	v39 =	vxor.u32 v22, v26  }
0x5d: {  	v43 =	vcvt.s32.f32 v11;
	v45 =	vcvt.s32.f32 v22;
	v49 =	vadd.s32 $0x1, v11  }
0x5e: {  	v1 =	vpack.i.f32.bf16 v1, v21;
	v21 =	vadd.s32 $0x9E3779B1, v26;
	v52 =	vxor.u32 v7, v17  }
0x5f: {  	v36 =	vxor.u32 v7, v24;
	v42 =	vcvt.s32.f32 v7;
	v33 =	vand.u32 $0x7FFF, v33  }
0x60: {  	v37 =	vand.u32 $0x7FFF, v37;
	v39 =	vand.u32 $0x7FFF, v39;
	v48 =	vadd.s32 $0x1, v7  }
0x61: {  	v11 =	vxor.u32 v49, v15;
	v14 =	vxor.u32 v49, v14;
	v34 =	vxor.u32 v22, v21  }
0x62: {  	v38 =	vxor.u32 v25, v32;
	v41 =	vxor.u32 v25, v28;
	v30 =	vand.u32 $0x7FFF, v52  }
0x63: {  	v47 =	vcvt.s32.f32 v25;
	v36 =	vand.u32 $0x7FFF, v36;
	v22 =	vadd.s32 $0x1, v22  }
0x64: {  	v7 =	vxor.u32 v48, v24;
	v15 =	vadd.s32 $0x1, v25;
	v25 =	vxor.u32 v29, v27  }
0x65: {  	v27 =	vand.u32 $0x7FFF, v11;
	v11 =	vsub.f32 v3, v16;
	v17 =	vxor.u32 v48, v17  }
0x66: {  	v14 =	vand.u32 $0x7FFF, v14;
	v34 =	vand.u32 $0x7FFF, v34;
	v38 =	vand.u32 $0x7FFF, v38  }
0x67: {  	v41 =	vand.u32 $0x7FFF, v41;
	v24 =	vxor.u32 v22, v26;
	v26 =	vxor.u32 v15, v28  }
0x68: {  	v2 =	vsub.f32 v9, v42;
	v12 =	vand.u32 $0x7FFF, v7;
	v7 =	vsub.f32 v10, v43  }
0x69: {  	v9 =	vsub.f32 v18, v45;
	v10 =	vsub.f32 v23, v46;
	v16 =	vand.u32 $0x7FFF, v25  }
0x6a: {  	v19 =	vxor.u32 v22, v21;
	v21 =	vxor.u32 v29, v31;
	v15 =	vxor.u32 v15, v32  }
0x6b: {  	v23 =	vsub.f32 $1.000000000e+00, v4;
	v17 =	vand.u32 $0x7FFF, v17;
	v42 =	vsub.f32 $1.000000000e+00, v6  }
0x6c: {  	v13 =	vand.u32 $0x7FFF, v24;
	v3 =	vsub.f32 v20, v47;
	v18 =	vand.u32 $0x7FFF, v26  }
0x6d: {  	v56 =	vld.idx.msk [tilespmem:v35+s1+$0x0], $0xffff;
	v26 =	vsub.f32 $1.000000000e+00, v8;
	v19 =	vand.u32 $0x7FFF, v19;
	v24 =	vsub.f32 $1.000000000e+00, v7  }
0x6e: {  	v40 =	vld.idx.msk [tilespmem:v40+s1+$0x0], $0xffff;
	v21 =	vand.u32 $0x7FFF, v21;
	v15 =	vand.u32 $0x7FFF, v15;
	v53 =	vsub.f32 $1.000000000e+00, v9  }
0x6f: {  	v20 =	vsub.f32 $1.000000000e+00, v2;
	v55 =	vsub.f32 $1.000000000e+00, v10;
	v25 =	vld.idx.msk [tilespmem:v33+s1+$0x0], $0xffff;
	v60 =	vmul.f32 v26, v24  }
0x70: {  	v33 =	vsub.f32 $1.000000000e+00, v11;
	v37 =	vld.idx.msk [tilespmem:v37+s1+$0x0], $0xffff;
	v24 =	vmul.f32 v8, v24;
	v28 =	vmul.f32 v5, v53  }
0x71: {  	v57 =	vsub.f32 $1.000000000e+00, v3;
	v22 =	vld.idx.msk [tilespmem:v30+s1+$0x0], $0xffff;
	v31 =	vmul.f32 v11, v55;
	v26 =	vmul.f32 v26, v7  }
0x72: {  	v50 =	vshll.u32 v56, $0x10;
	v58 =	vld.idx.msk [tilespmem:v38+s1+$0x0], $0xffff;
	v38 =	vmul.f32 v23, v20;
	v20 =	vmul.f32 v4, v20  }
0x73: {  	v30 =	vsub.f32 $1.000000000e+00, v5;
	v36 =	vld.idx.msk [tilespmem:v36+s1+$0x0], $0xffff;
	v62 =	vmul.f32 v33, v55;
	v48 =	vmul.f32 v42, v57  }
0x74: {  	v54 =	vld.idx.msk [tilespmem:v34+s1+$0x0], $0xffff;
	v34 =	vmul.f32 v6, v57;
	v55 =	vshll.u32 v40, $0x10;
	v23 =	vmul.f32 v23, v2  }
0x75: {  	v27 =	vld.idx.msk [tilespmem:v27+s1+$0x0], $0xffff;
	v40 =	vand.u32 $0xFFFF0000, v40;
	v33 =	vmul.f32 v33, v10;
	v45 =	vmul.f32 v30, v53  }
0x76: {  	v32 =	vand.u32 $0xFFFF0000, v56;
	v30 =	vmul.f32 v30, v9;
	v40 =	vmul.f32 v40, v62  }
0x77: {  	v61 =	vshll.u32 v25, $0x10;
	v25 =	vand.u32 $0xFFFF0000, v25;
	v53 =	vshll.u32 v37, $0x10  }
0x78: {  	v39 =	vld.idx.msk [tilespmem:v39+s1+$0x0], $0xffff;
	v37 =	vand.u32 $0xFFFF0000, v37;
	v59 =	vshll.u32 v22, $0x10;
	v22 =	vand.u32 $0xFFFF0000, v22  }
0x79: {  	v41 =	vld.idx.msk [tilespmem:v41+s1+$0x0], $0xffff;
	v52 =	vshll.u32 v36, $0x10;
	v36 =	vand.u32 $0xFFFF0000, v36;
	v46 =	vmul.f32 v61, v24  }
0x7a: {  	v24 =	vmul.f32 v25, v24;
	v49 =	vshll.u32 v27, $0x10;
	v27 =	vand.u32 $0xFFFF0000, v27  }
0x7b: {  	v12 =	vld.idx.msk [tilespmem:v12+s1+$0x0], $0xffff;
	v61 =	vmul.f32 v55, v62;
	v55 =	vmul.f32 v42, v3;
	v63 =	vshll.u32 v54, $0x10  }
0x7c: {  	v29 =	vand.u32 $0xFFFF0000, v54;
	v51 =	vshll.u32 v58, $0x10;
	v35 =	vand.u32 $0xFFFF0000, v58  }
0x7d: {  	v13 =	vld.idx.msk [tilespmem:v13+s1+$0x0], $0xffff;
	v54 =	vshll.u32 v39, $0x10;
	v39 =	vand.u32 $0xFFFF0000, v39;
	v43 =	vmul.f32 v59, v20  }
0x7e: {  	v56 =	vshll.u32 v41, $0x10;
	v20 =	vmul.f32 v22, v20;
	v57 =	vmul.f32 v36, v38  }
0x7f: {  	v16 =	vld.idx.msk [tilespmem:v16+s1+$0x0], $0xffff;
	v41 =	vand.u32 $0xFFFF0000, v41;
	v58 =	vmul.f32 v53, v60;
	v25 =	vmul.f32 v63, v28  }
0x80: {  	v18 =	vld.idx.msk [tilespmem:v18+s1+$0x0], $0xffff;
	v22 =	vshll.u32 v12, $0x10;
	v28 =	vmul.f32 v29, v28;
	v29 =	vmul.f32 v50, v31  }
0x81: {  	v12 =	vand.u32 $0xFFFF0000, v12;
	v31 =	vmul.f32 v32, v31;
	v32 =	vmul.f32 v51, v34  }
0x82: {  	v50 =	vmul.f32 v52, v38;
	v51 =	vshll.u32 v13, $0x10;
	v34 =	vmul.f32 v35, v34  }
0x83: {  	v17 =	vld.idx.msk [tilespmem:v17+s1+$0x0], $0xffff;
	v38 =	vand.u32 $0xFFFF0000, v13;
	v13 =	vmul.f32 v37, v60;
	v59 =	vmul.f32 v54, v45  }
0x84: {  	v60 =	vshll.u32 v16, $0x10;
	v39 =	vmul.f32 v39, v45;
	v16 =	vand.u32 $0xFFFF0000, v16  }
0x85: {  	v19 =	vld.idx.msk [tilespmem:v19+s1+$0x0], $0xffff;
	v62 =	vmul.f32 v56, v48;
	v63 =	vshll.u32 v18, $0x10;
	v41 =	vmul.f32 v41, v48  }
0x86: {  	v18 =	vand.u32 $0xFFFF0000, v18;
	v22 =	vmul.f32 v22, v23;
	v20 =	vadd.f32 v57, v20  }
0x87: {  	v36 =	vadd.f32 v58, v46;
	v57 =	vmul.f32 v12, v23;
	v58 =	vmul.f32 v49, v26  }
0x88: {  	v26 =	vmul.f32 v27, v26;
	v27 =	vshll.u32 v17, $0x10;
	v60 =	vmul.f32 v60, v33  }
0x89: {  	v23 =	vld.idx.msk [tilespmem:v15+s1+$0x0], $0xffff;
	v17 =	vand.u32 $0xFFFF0000, v17;
	v33 =	vmul.f32 v16, v33;
	v15 =	vmul.f32 v18, v55  }
0x8a: {  	v18 =	vmul.f32 v4, v2;
	v16 =	vshll.u32 v19, $0x10;
	v43 =	vadd.f32 v50, v43  }
0x8b: {  	v21 =	vld.idx.msk [tilespmem:v21+s1+$0x0], $0xffff;
	v4 =	vmul.f32 v11, v10;
	v56 =	vadd.f32 v13, v24;
	v25 =	vadd.f32 v59, v25  }
0x8c: {  	v2 =	vmul.f32 v6, v3;
	v28 =	vadd.f32 v39, v28;
	v29 =	vadd.f32 v61, v29  }
0x8d: {  	v31 =	vadd.f32 v40, v31;
	v12 =	vadd.f32 v62, v32;
	v59 =	vmul.f32 v51, v30  }
0x8e: {  	v24 =	vld.idx.msk [tilespmem:v14+s1+$0x0], $0xffff;
	v13 =	vadd.f32 v41, v34;
	v30 =	vmul.f32 v38, v30;
	v14 =	vmul.f32 v63, v55  }
0x8f: {  	v62 =	vmul.f32 v8, v7;
	v7 =	vmul.f32 v5, v9;
	v8 =	vand.u32 $0xFFFF0000, v19  }
0x90: {  	v9 =	vshll.u32 v21, $0x10;
	v20 =	vadd.f32 v20, v57;
	v19 =	vadd.f32 v56, v26  }
0x91: {  	s20 =	simm.s32 $0xC030;
	v5 =	vand.u32 $0xFFFF0000, v21;
	v10 =	vadd.f32 v25, v59;
	v11 =	vadd.f32 v28, v30  }
0x92: {  	[tilespmem:s20+$0x20] =	vst v1;
	v21 =	vmul.f32 v17, v18;
	v1 =	vadd.f32 v29, v60;
	v17 =	vadd.f32 v31, v33  }
0x93: {  	v6 =	vshll.u32 v23, $0x10;
	v3 =	vand.u32 $0xFFFF0000, v23;
	v23 =	vadd.f32 v43, v22  }
0x94: {  	v61 =	vshll.u32 v24, $0x10;
	v63 =	vand.u32 $0xFFFF0000, v24;
	v24 =	vmul.f32 v27, v18  }
0x95: {  	s6 =	simm.s32 $0x0;
	s7 =	simm.s32 $0xA090;
	s0 =	sshll.u32 s31, $0xE;
	v18 =	vadd.f32 v36, v58;
	v22 =	vmul.f32 v61, v62;
	v25 =	vmul.f32 v63, v62  }
.LBB2_3:
0x96: {  	v26 =	vld [tilespmem:s7+$0x20];
	v16 =	vmul.f32 v16, v7;
	v12 =	vadd.f32 v12, v14;
	v13 =	vadd.f32 v13, v15  }
0x97: {  	s6 =	sadd.s32 $0x6, s6;
	v15 =	vadd.f32 v23, v24;
	v7 =	vmul.f32 v8, v7;
	v8 =	vmul.f32 v9, v4;
	s19 =	sadd.s32 $0x60, s19;
	v14 =	vld [tilespmem:s7+$0xFFFFFFD0]  }
0x98: {  	v20 =	vadd.f32 v20, v21;
	v4 =	vmul.f32 v5, v4;
	v5 =	vmul.f32 v6, v2;
	p1 =	slt.u32 s6, $0x1F8;
	v9 =	vld [tilespmem:s19+$0x20]  }
0x99: {  	v18 =	vadd.f32 v18, v22;
	v2 =	vmul.f32 v3, v2;
	v19 =	vadd.f32 v19, v25;
	v6 =	vld [tilespmem:s7+$0xFFFFFFE0]  }
0x9a: {  	v15 =	vpack.i.f32.bf16 v20, v15;
	v10 =	vadd.f32 v10, v16;
	v7 =	vadd.f32 v11, v7;
	v3 =	vld [tilespmem:s7+$0xFFFFFFF0]  }
0x9b: {  	v8 =	vadd.f32 v1, v8;
	v4 =	vadd.f32 v17, v4;
	v11 =	vld [tilespmem:s7+$0x0];
	v16 =	vmul.f32 v26, v0;
	[tilespmem:s20+$0xFFFFFFD0] =	vst v15  }
0x9c: {  	v12 =	vadd.f32 v12, v5;
	v13 =	vadd.f32 v13, v2;
	v1 =	vmul.f32 v14, v0;
	v14 =	vld [tilespmem:s7+$0x10]  }
0x9d: {  	v17 =	vpack.i.f32.bf16 v19, v18;
	v15 =	vld [tilespmem:s19+$0xFFFFFFE0];
	v9 =	vmul.f32 v9, v0;
	v5 =	vtrunc.f32 v16  }
0x9e: {  	v2 =	vmul.f32 v6, v0;
	v18 =	vld [tilespmem:s19+$0xFFFFFFF0];
	v6 =	vcvt.f32.s32 v5;
	[tilespmem:s20+$0xFFFFFFE0] =	vst v17;
	v5 =	vpack.i.f32.bf16 v7, v10  }
0x9f: {  	v3 =	vmul.f32 v3, v0;
	v10 =	vld [tilespmem:s19+$0x0];
	v7 =	vtrunc.f32 v9;
	[tilespmem:s20+$0xFFFFFFF0] =	vst v5;
	v5 =	vpack.i.f32.bf16 v4, v8  }
0xa0: {  	v4 =	vmul.f32 v11, v0;
	v17 =	vld [tilespmem:s19+$0x10];
	v7 =	vcvt.f32.s32 v7;
	v8 =	vmul.u32 $0x9E3779B1, v6;
	[tilespmem:s20+$0x0] =	vst v5  }
0xa1: {  	v12 =	vpack.i.f32.bf16 v13, v12;
	v11 =	vtrunc.f32 v1;
	v19 =	vld [tilespmem:s19+$0xFFFFFFD0];
	v5 =	vmul.f32 v14, v0  }
0xa2: {  	v13 =	vtrunc.f32 v2;
	v14 =	vtrunc.f32 v3;
	v20 =	vxor.u32 v7, v8;
	[tilespmem:s20+$0x10] =	vst v12  }
0xa3: {  	v12 =	vtrunc.f32 v4;
	v21 =	vadd.s32 $0x9E3779B1, v8;
	v20 =	vand.u32 $0x7FFF, v20  }
0xa4: {  	v23 =	vadd.s32 $0x1, v7;
	v22 =	vtrunc.f32 v5;
	v24 =	vxor.u32 v7, v21  }
0xa5: {  	v25 =	vcvt.f32.s32 v11;
	v8 =	vxor.u32 v23, v8;
	v24 =	vand.u32 $0x7FFF, v24  }
0xa6: {  	v13 =	vcvt.f32.s32 v13;
	v11 =	vxor.u32 v23, v21;
	v21 =	vand.u32 $0x7FFF, v8  }
0xa7: {  	v6 =	vcvt.s32.f32 v6;
	v7 =	vcvt.s32.f32 v7;
	v23 =	vand.u32 $0x7FFF, v11  }
0xa8: {  	v14 =	vcvt.f32.s32 v14;
	v12 =	vcvt.f32.s32 v12;
	v11 =	vmul.u32 $0x9E3779B1, v25;
	v20 =	vld.idx.msk [tilespmem:v20+s1+$0x0], $0xffff  }
0xa9: {  	v16 =	vsub.f32 v16, v6;
	v22 =	vcvt.f32.s32 v22;
	v26 =	vsub.f32 v9, v7  }
0xaa: {  	v7 =	vmul.f32 v15, v0;
	v15 =	vmul.u32 $0x9E3779B1, v13;
	v6 =	vmul.f32 v19, v0;
	v19 =	vld.idx.msk [tilespmem:v24+s1+$0x0], $0xffff  }
0xab: {  	v8 =	vmul.f32 v18, v0;
	v18 =	vsub.f32 $1.000000000e+00, v26;
	v24 =	vsub.f32 $1.000000000e+00, v16;
	v21 =	vld.idx.msk [tilespmem:v21+s1+$0x0], $0xffff  }
0xac: {  	v27 =	vmul.u32 $0x9E3779B1, v14;
	v9 =	vmul.f32 v10, v0;
	v10 =	vmul.f32 v17, v0;
	v17 =	vld.idx.msk [tilespmem:v23+s1+$0x0], $0xffff  }
0xad: {  	v28 =	vmul.u32 $0x9E3779B1, v22;
	v23 =	vmul.u32 $0x9E3779B1, v12;
	v29 =	vmul.f32 v24, v18  }
0xae: {  	v24 =	vmul.f32 v24, v26;
	v26 =	vmul.f32 v16, v26;
	v30 =	vshll.u32 v20, $0x10  }
0xaf: {  	v16 =	vmul.f32 v16, v18;
	v20 =	vand.u32 $0xFFFF0000, v20;
	v18 =	vmul.f32 v30, v29  }
0xb0: {  	v20 =	vmul.f32 v20, v29;
	v30 =	vshll.u32 v19, $0x10;
	v19 =	vand.u32 $0xFFFF0000, v19  }
0xb1: {  	v29 =	vmul.f32 v30, v16;
	v30 =	vshll.u32 v21, $0x10;
	v16 =	vmul.f32 v19, v16  }
0xb2: {  	v21 =	vand.u32 $0xFFFF0000, v21;
	v19 =	vmul.f32 v30, v24;
	v30 =	vshll.u32 v17, $0x10  }
0xb3: {  	v18 =	vadd.f32 v18, v29;
	v16 =	vadd.f32 v20, v16;
	v20 =	vmul.f32 v21, v24  }
0xb4: {  	v17 =	vand.u32 $0xFFFF0000, v17;
	v21 =	vtrunc.f32 v6;
	v24 =	vmul.f32 v30, v26  }
0xb5: {  	v17 =	vmul.f32 v17, v26;
	v18 =	vadd.f32 v18, v19;
	v16 =	vadd.f32 v16, v20  }
0xb6: {  	v26 =	vtrunc.f32 v8;
	v19 =	vadd.s32 $0x9E3779B1, v11;
	v20 =	vtrunc.f32 v7  }
0xb7: {  	v29 =	vtrunc.f32 v9;
	v18 =	vadd.f32 v18, v24;
	v16 =	vadd.f32 v16, v17  }
0xb8: {  	v17 =	vcvt.f32.s32 v21;
	v21 =	vadd.s32 $0x9E3779B1, v15;
	v24 =	vtrunc.f32 v10  }
0xb9: {  	s20 =	sadd.s32 $0x60, s20;
	v26 =	vcvt.f32.s32 v26;
	v20 =	vcvt.f32.s32 v20;
	v16 =	vpack.i.f32.bf16 v16, v18  }
0xba: {  	v29 =	vcvt.f32.s32 v29;
	v24 =	vcvt.f32.s32 v24;
	v18 =	vadd.s32 $0x9E3779B1, v27;
	[tilespmem:s20+$0x20] =	vst v16  }
0xbb: {  	v31 =	vadd.s32 $0x9E3779B1, v28;
	v30 =	vadd.s32 $0x9E3779B1, v23;
	v16 =	vxor.u32 v17, v19  }
0xbc: {  	v34 =	vxor.u32 v29, v30;
	v32 =	vxor.u32 v20, v21;
	v33 =	vxor.u32 v26, v18  }
0xbd: {  	v36 =	vxor.u32 v20, v15;
	v35 =	vxor.u32 v17, v11;
	v37 =	vxor.u32 v24, v31  }
0xbe: {  	v38 =	vxor.u32 v26, v27;
	v39 =	vxor.u32 v29, v23;
	v40 =	vxor.u32 v24, v28  }
0xbf: {  	v25 =	vcvt.s32.f32 v25;
	v41 =	vcvt.s32.f32 v17;
	v16 =	vand.u32 $0x7FFF, v16  }
0xc0: {  	v13 =	vcvt.s32.f32 v13;
	v42 =	vcvt.s32.f32 v20;
	v32 =	vand.u32 $0x7FFF, v32  }
0xc1: {  	v14 =	vcvt.s32.f32 v14;
	v43 =	vcvt.s32.f32 v26;
	v33 =	vand.u32 $0x7FFF, v33  }
0xc2: {  	v12 =	vcvt.s32.f32 v12;
	v44 =	vcvt.s32.f32 v29;
	v34 =	vand.u32 $0x7FFF, v34  }
0xc3: {  	v22 =	vcvt.s32.f32 v22;
	v45 =	vcvt.s32.f32 v24;
	v37 =	vand.u32 $0x7FFF, v37  }
0xc4: {  	v38 =	vand.u32 $0x7FFF, v38;
	v36 =	vand.u32 $0x7FFF, v36;
	v35 =	vand.u32 $0x7FFF, v35;
	v16 =	vld.idx.msk [tilespmem:v16+s1+$0x0], $0xffff  }
0xc5: {  	v39 =	vand.u32 $0x7FFF, v39;
	v17 =	vadd.s32 $0x1, v17;
	v40 =	vand.u32 $0x7FFF, v40;
	v32 =	vld.idx.msk [tilespmem:v32+s1+$0x0], $0xffff  }
0xc6: {  	v29 =	vadd.s32 $0x1, v29;
	v20 =	vadd.s32 $0x1, v20;
	v26 =	vadd.s32 $0x1, v26;
	v33 =	vld.idx.msk [tilespmem:v33+s1+$0x0], $0xffff  }
0xc7: {  	v15 =	vxor.u32 v20, v15;
	v24 =	vadd.s32 $0x1, v24;
	v11 =	vxor.u32 v17, v11;
	v34 =	vld.idx.msk [tilespmem:v34+s1+$0x0], $0xffff  }
0xc8: {  	v23 =	vxor.u32 v29, v23;
	v27 =	vxor.u32 v26, v27;
	v28 =	vxor.u32 v24, v28;
	v37 =	vld.idx.msk [tilespmem:v37+s1+$0x0], $0xffff  }
0xc9: {  	v1 =	vsub.f32 v1, v25;
	v6 =	vsub.f32 v6, v41;
	v11 =	vand.u32 $0x7FFF, v11;
	v25 =	vld.idx.msk [tilespmem:v35+s1+$0x0], $0xffff  }
0xca: {  	v2 =	vsub.f32 v2, v13;
	v7 =	vsub.f32 v7, v42;
	v15 =	vand.u32 $0x7FFF, v15;
	v13 =	vld.idx.msk [tilespmem:v36+s1+$0x0], $0xffff  }
0xcb: {  	v3 =	vsub.f32 v3, v14;
	v8 =	vsub.f32 v8, v43;
	v27 =	vand.u32 $0x7FFF, v27;
	v14 =	vld.idx.msk [tilespmem:v38+s1+$0x0], $0xffff  }
0xcc: {  	v4 =	vsub.f32 v4, v12;
	v9 =	vsub.f32 v9, v44;
	v23 =	vand.u32 $0x7FFF, v23;
	v12 =	vld.idx.msk [tilespmem:v39+s1+$0x0], $0xffff  }
0xcd: {  	v5 =	vsub.f32 v5, v22;
	v10 =	vsub.f32 v10, v45;
	v28 =	vand.u32 $0x7FFF, v28;
	v22 =	vld.idx.msk [tilespmem:v40+s1+$0x0], $0xffff  }
0xce: {  	v18 =	vxor.u32 v26, v18;
	v17 =	vxor.u32 v17, v19;
	v19 =	vxor.u32 v20, v21;
	v11 =	vld.idx.msk [tilespmem:v11+s1+$0x0], $0xffff  }
0xcf: {  	v24 =	vxor.u32 v24, v31;
	v21 =	vxor.u32 v29, v30;
	v20 =	vsub.f32 $1.000000000e+00, v6;
	v15 =	vld.idx.msk [tilespmem:v15+s1+$0x0], $0xffff  }
0xd0: {  	v26 =	vsub.f32 $1.000000000e+00, v1;
	v29 =	vsub.f32 $1.000000000e+00, v7;
	v17 =	vand.u32 $0x7FFF, v17;
	v27 =	vld.idx.msk [tilespmem:v27+s1+$0x0], $0xffff  }
0xd1: {  	v31 =	vsub.f32 $1.000000000e+00, v8;
	v30 =	vsub.f32 $1.000000000e+00, v2;
	v19 =	vand.u32 $0x7FFF, v19;
	v23 =	vld.idx.msk [tilespmem:v23+s1+$0x0], $0xffff  }
0xd2: {  	v18 =	vand.u32 $0x7FFF, v18;
	v35 =	vsub.f32 $1.000000000e+00, v3;
	v36 =	vsub.f32 $1.000000000e+00, v9;
	v28 =	vld.idx.msk [tilespmem:v28+s1+$0x0], $0xffff  }
0xd3: {  	v21 =	vand.u32 $0x7FFF, v21;
	v38 =	vsub.f32 $1.000000000e+00, v4;
	v39 =	vsub.f32 $1.000000000e+00, v10  }
0xd4: {  	v41 =	vsub.f32 $1.000000000e+00, v5;
	v24 =	vand.u32 $0x7FFF, v24;
	v40 =	vmul.f32 v26, v20  }
0xd5: {  	v43 =	vmul.f32 v30, v29;
	v42 =	vshll.u32 v16, $0x10;
	v20 =	vmul.f32 v1, v20;
	v17 =	vld.idx.msk [tilespmem:v17+s1+$0x0], $0xffff  }
0xd6: {  	v29 =	vmul.f32 v2, v29;
	v16 =	vand.u32 $0xFFFF0000, v16;
	v44 =	vmul.f32 v35, v31;
	v19 =	vld.idx.msk [tilespmem:v19+s1+$0x0], $0xffff  }
0xd7: {  	v45 =	vshll.u32 v32, $0x10;
	v31 =	vmul.f32 v3, v31;
	v46 =	vmul.f32 v38, v36;
	v18 =	vld.idx.msk [tilespmem:v18+s1+$0x0], $0xffff  }
0xd8: {  	v32 =	vand.u32 $0xFFFF0000, v32;
	v36 =	vmul.f32 v4, v36;
	v47 =	vmul.f32 v41, v39;
	v21 =	vld.idx.msk [tilespmem:v21+s1+$0x0], $0xffff  }
0xd9: {  	v48 =	vshll.u32 v33, $0x10;
	v33 =	vand.u32 $0xFFFF0000, v33;
	v39 =	vmul.f32 v5, v39;
	v24 =	vld.idx.msk [tilespmem:v24+s1+$0x0], $0xffff  }
0xda: {  	v49 =	vshll.u32 v34, $0x10;
	v34 =	vand.u32 $0xFFFF0000, v34;
	v50 =	vshll.u32 v37, $0x10  }
0xdb: {  	v37 =	vand.u32 $0xFFFF0000, v37;
	v51 =	vshll.u32 v25, $0x10;
	v25 =	vand.u32 $0xFFFF0000, v25  }
0xdc: {  	v52 =	vshll.u32 v13, $0x10;
	v13 =	vand.u32 $0xFFFF0000, v13;
	v53 =	vshll.u32 v14, $0x10  }
0xdd: {  	v14 =	vand.u32 $0xFFFF0000, v14;
	v54 =	vshll.u32 v12, $0x10;
	v12 =	vand.u32 $0xFFFF0000, v12  }
0xde: {  	v42 =	vmul.f32 v42, v20;
	v55 =	vshll.u32 v22, $0x10;
	v22 =	vand.u32 $0xFFFF0000, v22  }
0xdf: {  	v16 =	vmul.f32 v16, v20;
	v20 =	vmul.f32 v45, v29;
	v56 =	vshll.u32 v11, $0x10  }
0xe0: {  	v29 =	vmul.f32 v32, v29;
	v32 =	vmul.f32 v48, v31;
	v11 =	vand.u32 $0xFFFF0000, v11  }
0xe1: {  	v31 =	vmul.f32 v33, v31;
	v33 =	vmul.f32 v49, v36;
	v45 =	vshll.u32 v15, $0x10  }
0xe2: {  	v34 =	vmul.f32 v34, v36;
	v36 =	vmul.f32 v50, v39;
	v15 =	vand.u32 $0xFFFF0000, v15  }
0xe3: {  	v48 =	vmul.f32 v51, v40;
	v37 =	vmul.f32 v37, v39;
	v49 =	vshll.u32 v27, $0x10  }
0xe4: {  	v25 =	vmul.f32 v25, v40;
	v39 =	vmul.f32 v52, v43;
	v27 =	vand.u32 $0xFFFF0000, v27  }
0xe5: {  	v13 =	vmul.f32 v13, v43;
	v40 =	vmul.f32 v53, v44;
	v43 =	vshll.u32 v23, $0x10  }
0xe6: {  	v14 =	vmul.f32 v14, v44;
	v44 =	vmul.f32 v54, v46;
	v23 =	vand.u32 $0xFFFF0000, v23  }
0xe7: {  	v12 =	vmul.f32 v12, v46;
	v46 =	vmul.f32 v55, v47;
	v50 =	vshll.u32 v28, $0x10  }
0xe8: {  	v26 =	vmul.f32 v26, v6;
	v22 =	vmul.f32 v22, v47;
	v28 =	vand.u32 $0xFFFF0000, v28  }
0xe9: {  	v30 =	vmul.f32 v30, v7;
	v35 =	vmul.f32 v35, v8;
	v42 =	vadd.f32 v48, v42  }
0xea: {  	v25 =	vadd.f32 v25, v16;
	v16 =	vmul.f32 v38, v9;
	v38 =	vmul.f32 v41, v10  }
0xeb: {  	v39 =	vadd.f32 v39, v20;
	v29 =	vadd.f32 v13, v29;
	v41 =	vmul.f32 v56, v26  }
0xec: {  	v31 =	vadd.f32 v14, v31;
	v11 =	vmul.f32 v11, v26;
	v26 =	vadd.f32 v40, v32  }
0xed: {  	v33 =	vadd.f32 v44, v33;
	v34 =	vadd.f32 v12, v34;
	v32 =	vmul.f32 v45, v30  }
0xee: {  	v30 =	vmul.f32 v15, v30;
	v12 =	vadd.f32 v46, v36;
	v13 =	vadd.f32 v22, v37  }
0xef: {  	v36 =	vmul.f32 v49, v35;
	v27 =	vmul.f32 v27, v35;
	v20 =	vshll.u32 v17, $0x10  }
0xf0: {  	v35 =	vmul.f32 v43, v16;
	v37 =	vmul.f32 v23, v16;
	v17 =	vand.u32 $0xFFFF0000, v17  }
0xf1: {  	v14 =	vmul.f32 v50, v38;
	v15 =	vmul.f32 v28, v38;
	v22 =	vshll.u32 v19, $0x10  }
0xf2: {  	v1 =	vmul.f32 v1, v6;
	v28 =	vmul.f32 v2, v7;
	v38 =	vand.u32 $0xFFFF0000, v19  }
0xf3: {  	v4 =	vmul.f32 v4, v9;
	v7 =	vmul.f32 v3, v8;
	v16 =	vshll.u32 v18, $0x10  }
0xf4: {  	v2 =	vmul.f32 v5, v10;
	v8 =	vand.u32 $0xFFFF0000, v18;
	v9 =	vshll.u32 v21, $0x10  }
.Ltmp2:
0xf5: {  	v5 =	vand.u32 $0xFFFF0000, v21;
	v6 =	vshll.u32 v24, $0x10;
	v3 =	vand.u32 $0xFFFF0000, v24;
	(pc) =	sbr.rel @p1 .LBB2_3-.Ltmp2, $4  }
0xf6: {  	v23 =	vadd.f32 v42, v41;
	v24 =	vmul.f32 v20, v1;
	v20 =	vadd.f32 v25, v11  }
0xf7: {  	v19 =	vadd.f32 v29, v30;
	v18 =	vadd.f32 v39, v32;
	v21 =	vmul.f32 v17, v1  }
0xf8: {  	v10 =	vadd.f32 v26, v36;
	v22 =	vmul.f32 v22, v28;
	v11 =	vadd.f32 v31, v27  }
0xf9: {  	s7 =	sadd.s32 $0x60, s7;
	v17 =	vadd.f32 v34, v37;
	v25 =	vmul.f32 v38, v28;
	v1 =	vadd.f32 v33, v35  }
0xfa: {  	v16 =	vmul.f32 v16, v7;
	v12 =	vadd.f32 v12, v14;
	v13 =	vadd.f32 v13, v15  }
0xfb: {  	v53 =	vadd.f32 v23, v24;
	v54 =	vmul.f32 v8, v7;
	v55 =	vmul.f32 v9, v4  }
0xfc: {  	v56 =	vadd.f32 v20, v21;
	v57 =	vmul.f32 v5, v4;
	v58 =	vmul.f32 v6, v2  }
0xfd: {  	v59 =	vadd.f32 v18, v22;
	v2 =	vmul.f32 v3, v2;
	v60 =	vadd.f32 v19, v25  }
0xfe: {  	v3 =	vpack.i.f32.bf16 v56, v53;
	v61 =	vadd.f32 v10, v16;
	v7 =	vadd.f32 v11, v54  }
0xff: {  	v1 =	vadd.f32 v1, v55;
	[tilespmem:s20+$0xFFFFFFD0] =	vst v3;
	v3 =	vadd.f32 v17, v57;
	v62 =	vpack.i.f32.bf16 v60, v59  }
0x100: {  	v5 =	vadd.f32 v12, v58;
	v2 =	vadd.f32 v13, v2;
	[tilespmem:s20+$0xFFFFFFE0] =	vst v62;
	v63 =	vpack.i.f32.bf16 v7, v61  }
0x101: {  	[tilespmem:s20+$0xFFFFFFF0] =	vst v63;
	v1 =	vpack.i.f32.bf16 v3, v1  }
0x102: {  	[tilespmem:s20+$0x0] =	vst v1;
	v1 =	vpack.i.f32.bf16 v2, v5  }
0x103: {  	[tilespmem:s20+$0x10] =	vst v1  }
.LBB2_5:
0x104: {  	s6 =	sshra.s32 s1, $0x2  }
0x105: {  	v1 =	vld [tilespmem:s6+$0xBFE0];
	_ =	sdelay $0x1  }
0x106: {  	v2 =	vld [tilespmem:s6+$0x9FE0];
	_ =	sdelay $0x2  }
0x107: {  	v1 =	vmul.f32 v1, v0;
	_ =	sdelay $0x1  }
0x108: {  	v2 =	vmul.f32 v2, v0;
	v3 =	vtrunc.f32 v1  }
0x109: {  	v3 =	vcvt.f32.s32 v3  }
0x10a: {  	v4 =	vtrunc.f32 v2  }
0x10b: {  	v4 =	vcvt.f32.s32 v4;
	v5 =	vmul.u32 $0x9E3779B1, v3;
	_ =	sdelay $0x1  }
0x10c: {  	v9 =	vadd.s32 $0x1, v4;
	v7 =	vxor.u32 v4, v5  }
0x10d: {  	v6 =	vadd.s32 $0x9E3779B1, v5;
	v5 =	vxor.u32 v9, v5;
	v7 =	vand.u32 $0x7FFF, v7  }
0x10e: {  	v3 =	vcvt.s32.f32 v3;
	v8 =	vxor.u32 v4, v6;
	v5 =	vand.u32 $0x7FFF, v5  }
0x10f: {  	v8 =	vand.u32 $0x7FFF, v8  }
0x110: {  	v1 =	vsub.f32 v1, v3;
	v4 =	vcvt.s32.f32 v4;
	v3 =	vxor.u32 v9, v6  }
0x111: {  	v3 =	vand.u32 $0x7FFF, v3  }
0x112: {  	v2 =	vsub.f32 v2, v4;
	v54 =	vld.idx.msk [tilespmem:v7+s2+$0x0], $0xffff  }
0x113: {  	v5 =	vld.idx.msk [tilespmem:v5+s2+$0x0], $0xffff  }
0x114: {  	v57 =	vsub.f32 $1.000000000e+00, v1;
	v56 =	vsub.f32 $1.000000000e+00, v2;
	v55 =	vld.idx.msk [tilespmem:v8+s2+$0x0], $0xffff;
	_ =	sdelay $0x1  }
0x115: {  	v58 =	vmul.f32 v57, v56;
	v3 =	vld.idx.msk [tilespmem:v3+s2+$0x0], $0xffff  }
0x116: {  	v7 =	vmul.f32 v1, v56;
	v8 =	vmul.f32 v57, v2;
	v10 =	vshll.u32 v54, $0x10  }
0x117: {  	v4 =	vand.u32 $0xFFFF0000, v54;
	v59 =	vshll.u32 v5, $0x10;
	v10 =	vmul.f32 v10, v58  }
0x118: {  	v11 =	vshll.u32 v55, $0x10;
	v6 =	vand.u32 $0xFFFF0000, v55;
	v4 =	vmul.f32 v4, v58  }
0x119: {  	v5 =	vand.u32 $0xFFFF0000, v5;
	v11 =	vmul.f32 v11, v7;
	v6 =	vmul.f32 v6, v7  }
0x11a: {  	v1 =	vmul.f32 v1, v2;
	v61 =	vmul.f32 v5, v8;
	v63 =	vshll.u32 v3, $0x10  }
0x11b: {  	v7 =	vmul.f32 v59, v8;
	v60 =	vadd.f32 v10, v11;
	v2 =	vadd.f32 v4, v6  }
0x11c: {  	v3 =	vand.u32 $0xFFFF0000, v3;
	v6 =	vmul.f32 v63, v1  }
0x11d: {  	p1 =	sne.s32 s1, $0x40;
	v1 =	vmul.f32 v3, v1;
	v62 =	vadd.f32 v60, v7;
	v2 =	vadd.f32 v2, v61  }
.Ltmp3:
0x11e: {  	_ = 	snop;
	(pc) =	sbr.rel @p1 .LBB2_5-.Ltmp3, $3  }
0x11f: {  	v3 =	vadd.f32 v62, v6;
	v1 =	vadd.f32 v2, v1;
	_ =	sdelay $0x1  }
0x120: {  	v1 =	vpack.i.f32.bf16 v1, v3  }
0x121: {  	s1 =	sadd.s32 $0x40, s1;
	[tilespmem:s6+$0xDFE0] =	vst v1  }
0x122: {  	s1 =	sshll.u32 s31, $0x11  }
0x123: {  	s1 =	sadd.s32 s11, s1  }
0x124: {  	s1 =	sshrl.u32 s1, $0x3  }
0x125: {  	p1 =	seq.s32 s31, $0x7;
	s1 =	sadd.s32 s5, s1  }
0x126: {  	[hbm4b:s1+s16] =	stream.strided.scatter [tilespmem:s24], [sflag:$0x3], $0x2000, s17, s16, $0x38;
	[tilespmem:$0x14000] =	vst v63  }
0x127: {  	s1 =	sadd.s32 @!p1 s0, s12  }
0x128: {  	s1 =	sshrl.u32 @!p1 s1, $0x3  }
0x129: {  	s7 =	simm.s32 @!p1 $0x0;
	s8 =	simm.s32 @!p1 $0x8000;
	s6 =	sadd.s32 @!p1 s3, s1  }
0x12a: {  	[tilespmem:s8], [sflag:$0x1] =	stream.linear.gather @!p1 [hbm4b:s6+s7], $0x2000, $0x38;
	[tilespmem:$0x14000] =	vst v63  }
0x12b: {  	s1 =	sadd.s32 @!p1 s4, s1;
	s6 =	simm.s32 @!p1 $0xA000  }
0x12c: {  	[tilespmem:s6], [sflag:$0x1] =	stream.linear.gather @!p1 [hbm4b:s1+s7], $0x2000, $0x38;
	[tilespmem:$0x14000] =	vst v63  }
0x12d: {  	_ =	swait.ge [sflag:s25], $0x2000  }
0x12e: {  	[sflag:s25] =	ssyncset.done $0x0  }
0x12f: {  	[sflag:s25] =	ssyncadd.s32 $0xFFFFE000  }
0x130: {  	_ =	swait.ge [sflag:s25], $0x2000  }
0x131: {  	[sflag:s25] =	ssyncset.done $0x0  }
0x132: {  	s1 =	simm.s32 @!p0 $0x4;
	[sflag:s25] =	ssyncadd.s32 $0xFFFFE000  }
0x133: {  	_ =	swait.ge @!p0 [sflag:s1], $0x2000  }
0x134: {  	[sflag:s1] =	ssyncset.done @!p0 $0x0  }
0x135: {  	s20 =	simm.s32 $0x10030;
	[sflag:s1] =	ssyncadd.s32 @!p0 $0xFFFFE000  }
0x136: {  	v1 =	vld [tilespmem:s20+$0x20]  }
0x137: {  	s19 =	simm.s32 $0xE030;
	v2 =	vld [tilespmem:s20+$0xFFFFFFD0]  }
0x138: {  	v3 =	vld [tilespmem:s19+$0x20]  }
0x139: {  	v5 =	vld [tilespmem:s20+$0xFFFFFFE0]  }
0x13a: {  	v6 =	vld [tilespmem:s20+$0xFFFFFFF0]  }
0x13b: {  	v18 =	vld [tilespmem:s19+$0xFFFFFFF0]  }
0x13c: {  	v23 =	vld [tilespmem:s19+$0x0];
	_ =	sdelay $0x1  }
0x13d: {  	v1 =	vmul.f32 v1, v0;
	v4 =	vmul.f32 v2, v0  }
0x13e: {  	v7 =	vld [tilespmem:s20+$0x0];
	v9 =	vmul.f32 v3, v0;
	v8 =	vmul.f32 v5, v0  }
0x13f: {  	v5 =	vmul.f32 v6, v0;
	v18 =	vmul.f32 v18, v0  }
0x140: {  	v2 =	vld [tilespmem:s20+$0x10];
	v23 =	vmul.f32 v23, v0;
	v3 =	vtrunc.f32 v1  }
0x141: {  	v6 =	vtrunc.f32 v9;
	v12 =	vtrunc.f32 v4  }
0x142: {  	v13 =	vtrunc.f32 v5;
	v51 =	vtrunc.f32 v23  }
0x143: {  	v10 =	vcvt.f32.s32 v3;
	v3 =	vmul.f32 v7, v0  }
0x144: {  	v7 =	vcvt.f32.s32 v6;
	v12 =	vcvt.f32.s32 v12  }
0x145: {  	v13 =	vcvt.f32.s32 v13;
	v11 =	vmul.u32 $0x9E3779B1, v10;
	v6 =	vmul.f32 v2, v0  }
0x146: {  	v2 =	vtrunc.f32 v8;
	v16 =	vtrunc.f32 v3;
	v20 =	vadd.s32 $0x1, v7  }
0x147: {  	v15 =	vld [tilespmem:s19+$0xFFFFFFE0];
	v10 =	vcvt.s32.f32 v10;
	v24 =	vmul.u32 $0x9E3779B1, v12;
	v12 =	vcvt.s32.f32 v12  }
0x148: {  	v26 =	vmul.u32 $0x9E3779B1, v13;
	v13 =	vcvt.s32.f32 v13;
	v2 =	vcvt.f32.s32 v2  }
0x149: {  	v16 =	vcvt.f32.s32 v16;
	v14 =	vxor.u32 v7, v11;
	v17 =	vadd.s32 $0x9E3779B1, v11  }
0x14a: {  	v19 =	vtrunc.f32 v6;
	v11 =	vxor.u32 v20, v11;
	v14 =	vand.u32 $0x7FFF, v14  }
0x14b: {  	v22 =	vld [tilespmem:s19+$0xFFFFFFD0];
	v1 =	vsub.f32 v1, v10;
	v21 =	vxor.u32 v7, v17;
	v11 =	vand.u32 $0x7FFF, v11  }
0x14c: {  	v10 =	vmul.f32 v15, v0;
	v4 =	vsub.f32 v4, v12;
	v21 =	vand.u32 $0x7FFF, v21  }
0x14d: {  	v5 =	vsub.f32 v5, v13;
	v17 =	vxor.u32 v20, v17;
	v20 =	vld [tilespmem:s19+$0x10];
	v7 =	vcvt.s32.f32 v7  }
0x14e: {  	s1 =	simm.s32 $0x0;
	v19 =	vcvt.f32.s32 v19;
	v15 =	vmul.u32 $0x9E3779B1, v2;
	v17 =	vand.u32 $0x7FFF, v17  }
0x14f: {  	v27 =	vmul.u32 $0x9E3779B1, v16;
	v44 =	vcvt.s32.f32 v2;
	v7 =	vsub.f32 v9, v7;
	v14 =	vld.idx.msk [tilespmem:v14+s1+$0x0], $0xffff  }
0x150: {  	v16 =	vcvt.s32.f32 v16;
	v25 =	vsub.f32 $1.000000000e+00, v1;
	v9 =	vmul.f32 v22, v0;
	v11 =	vld.idx.msk [tilespmem:v11+s1+$0x0], $0xffff  }
0x151: {  	v28 =	vmul.u32 $0x9E3779B1, v19;
	v31 =	vadd.s32 $0x9E3779B1, v27;
	v22 =	vsub.f32 $1.000000000e+00, v7;
	v21 =	vld.idx.msk [tilespmem:v21+s1+$0x0], $0xffff  }
0x152: {  	v19 =	vcvt.s32.f32 v19;
	v8 =	vsub.f32 v8, v44;
	v20 =	vmul.f32 v20, v0  }
0x153: {  	v32 =	vadd.s32 $0x9E3779B1, v28;
	v17 =	vld.idx.msk [tilespmem:v17+s1+$0x0], $0xffff;
	v29 =	vmul.f32 v25, v22;
	v25 =	vmul.f32 v25, v7  }
0x154: {  	v6 =	vsub.f32 v6, v19;
	v7 =	vmul.f32 v1, v7;
	v1 =	vmul.f32 v1, v22  }
0x155: {  	v30 =	vshll.u32 v14, $0x10;
	v14 =	vand.u32 $0xFFFF0000, v14;
	v49 =	vshll.u32 v11, $0x10  }
0x156: {  	v11 =	vand.u32 $0xFFFF0000, v11;
	v22 =	vmul.f32 v30, v29;
	v47 =	vshll.u32 v21, $0x10  }
0x157: {  	v14 =	vmul.f32 v14, v29;
	v21 =	vand.u32 $0xFFFF0000, v21;
	v11 =	vmul.f32 v11, v25  }
0x158: {  	v50 =	vshll.u32 v17, $0x10;
	v29 =	vcvt.f32.s32 v51;
	v48 =	vmul.f32 v47, v1  }
0x159: {  	v17 =	vand.u32 $0xFFFF0000, v17;
	v1 =	vmul.f32 v21, v1;
	v21 =	vmul.f32 v49, v25  }
0x15a: {  	v25 =	vmul.f32 v50, v7;
	v7 =	vmul.f32 v17, v7;
	v17 =	vadd.s32 $0x9E3779B1, v24  }
0x15b: {  	v35 =	vxor.u32 v29, v31;
	v40 =	vxor.u32 v29, v27;
	v22 =	vadd.f32 v22, v48  }
0x15c: {  	v46 =	vcvt.s32.f32 v29;
	v29 =	vadd.s32 $0x1, v29;
	v1 =	vadd.f32 v14, v1  }
0x15d: {  	v14 =	vtrunc.f32 v9;
	v35 =	vand.u32 $0x7FFF, v35;
	v21 =	vadd.f32 v22, v21  }
0x15e: {  	v1 =	vadd.f32 v1, v11;
	v11 =	vtrunc.f32 v10;
	v22 =	vtrunc.f32 v18  }
0x15f: {  	v40 =	vand.u32 $0x7FFF, v40;
	v11 =	vcvt.f32.s32 v11;
	v22 =	vcvt.f32.s32 v22  }
0x160: {  	v21 =	vadd.f32 v21, v25;
	v1 =	vadd.f32 v1, v7;
	v25 =	vtrunc.f32 v20  }
0x161: {  	v7 =	vcvt.f32.s32 v14;
	v14 =	vadd.s32 $0x9E3779B1, v15;
	v25 =	vcvt.f32.s32 v25  }
0x162: {  	v33 =	vxor.u32 v11, v14;
	v37 =	vxor.u32 v11, v15;
	v39 =	vxor.u32 v22, v26  }
0x163: {  	v43 =	vcvt.s32.f32 v11;
	v45 =	vcvt.s32.f32 v22;
	v49 =	vadd.s32 $0x1, v11  }
0x164: {  	v1 =	vpack.i.f32.bf16 v1, v21;
	v21 =	vadd.s32 $0x9E3779B1, v26;
	v52 =	vxor.u32 v7, v17  }
0x165: {  	v36 =	vxor.u32 v7, v24;
	v42 =	vcvt.s32.f32 v7;
	v33 =	vand.u32 $0x7FFF, v33  }
0x166: {  	v37 =	vand.u32 $0x7FFF, v37;
	v39 =	vand.u32 $0x7FFF, v39;
	v48 =	vadd.s32 $0x1, v7  }
0x167: {  	v11 =	vxor.u32 v49, v15;
	v14 =	vxor.u32 v49, v14;
	v34 =	vxor.u32 v22, v21  }
0x168: {  	v38 =	vxor.u32 v25, v32;
	v41 =	vxor.u32 v25, v28;
	v30 =	vand.u32 $0x7FFF, v52  }
0x169: {  	v47 =	vcvt.s32.f32 v25;
	v36 =	vand.u32 $0x7FFF, v36;
	v22 =	vadd.s32 $0x1, v22  }
0x16a: {  	v7 =	vxor.u32 v48, v24;
	v15 =	vadd.s32 $0x1, v25;
	v25 =	vxor.u32 v29, v27  }
0x16b: {  	v27 =	vand.u32 $0x7FFF, v11;
	v11 =	vsub.f32 v3, v16;
	v17 =	vxor.u32 v48, v17  }
0x16c: {  	v14 =	vand.u32 $0x7FFF, v14;
	v34 =	vand.u32 $0x7FFF, v34;
	v38 =	vand.u32 $0x7FFF, v38  }
0x16d: {  	v41 =	vand.u32 $0x7FFF, v41;
	v24 =	vxor.u32 v22, v26;
	v26 =	vxor.u32 v15, v28  }
0x16e: {  	v2 =	vsub.f32 v9, v42;
	v12 =	vand.u32 $0x7FFF, v7;
	v7 =	vsub.f32 v10, v43  }
0x16f: {  	v9 =	vsub.f32 v18, v45;
	v10 =	vsub.f32 v23, v46;
	v16 =	vand.u32 $0x7FFF, v25  }
0x170: {  	v19 =	vxor.u32 v22, v21;
	v21 =	vxor.u32 v29, v31;
	v15 =	vxor.u32 v15, v32  }
0x171: {  	v23 =	vsub.f32 $1.000000000e+00, v4;
	v17 =	vand.u32 $0x7FFF, v17;
	v42 =	vsub.f32 $1.000000000e+00, v6  }
0x172: {  	v13 =	vand.u32 $0x7FFF, v24;
	v3 =	vsub.f32 v20, v47;
	v18 =	vand.u32 $0x7FFF, v26  }
0x173: {  	v56 =	vld.idx.msk [tilespmem:v35+s1+$0x0], $0xffff;
	v26 =	vsub.f32 $1.000000000e+00, v8;
	v19 =	vand.u32 $0x7FFF, v19;
	v24 =	vsub.f32 $1.000000000e+00, v7  }
0x174: {  	v40 =	vld.idx.msk [tilespmem:v40+s1+$0x0], $0xffff;
	v21 =	vand.u32 $0x7FFF, v21;
	v15 =	vand.u32 $0x7FFF, v15;
	v53 =	vsub.f32 $1.000000000e+00, v9  }
0x175: {  	v20 =	vsub.f32 $1.000000000e+00, v2;
	v55 =	vsub.f32 $1.000000000e+00, v10;
	v25 =	vld.idx.msk [tilespmem:v33+s1+$0x0], $0xffff;
	v60 =	vmul.f32 v26, v24  }
0x176: {  	v33 =	vsub.f32 $1.000000000e+00, v11;
	v37 =	vld.idx.msk [tilespmem:v37+s1+$0x0], $0xffff;
	v24 =	vmul.f32 v8, v24;
	v28 =	vmul.f32 v5, v53  }
0x177: {  	v57 =	vsub.f32 $1.000000000e+00, v3;
	v22 =	vld.idx.msk [tilespmem:v30+s1+$0x0], $0xffff;
	v31 =	vmul.f32 v11, v55;
	v26 =	vmul.f32 v26, v7  }
0x178: {  	v50 =	vshll.u32 v56, $0x10;
	v58 =	vld.idx.msk [tilespmem:v38+s1+$0x0], $0xffff;
	v38 =	vmul.f32 v23, v20;
	v20 =	vmul.f32 v4, v20  }
0x179: {  	v30 =	vsub.f32 $1.000000000e+00, v5;
	v36 =	vld.idx.msk [tilespmem:v36+s1+$0x0], $0xffff;
	v62 =	vmul.f32 v33, v55;
	v48 =	vmul.f32 v42, v57  }
0x17a: {  	v54 =	vld.idx.msk [tilespmem:v34+s1+$0x0], $0xffff;
	v34 =	vmul.f32 v6, v57;
	v55 =	vshll.u32 v40, $0x10;
	v23 =	vmul.f32 v23, v2  }
0x17b: {  	v27 =	vld.idx.msk [tilespmem:v27+s1+$0x0], $0xffff;
	v40 =	vand.u32 $0xFFFF0000, v40;
	v33 =	vmul.f32 v33, v10;
	v45 =	vmul.f32 v30, v53  }
0x17c: {  	v32 =	vand.u32 $0xFFFF0000, v56;
	v30 =	vmul.f32 v30, v9;
	v40 =	vmul.f32 v40, v62  }
0x17d: {  	v61 =	vshll.u32 v25, $0x10;
	v25 =	vand.u32 $0xFFFF0000, v25;
	v53 =	vshll.u32 v37, $0x10  }
0x17e: {  	v39 =	vld.idx.msk [tilespmem:v39+s1+$0x0], $0xffff;
	v37 =	vand.u32 $0xFFFF0000, v37;
	v59 =	vshll.u32 v22, $0x10;
	v22 =	vand.u32 $0xFFFF0000, v22  }
0x17f: {  	v41 =	vld.idx.msk [tilespmem:v41+s1+$0x0], $0xffff;
	v52 =	vshll.u32 v36, $0x10;
	v36 =	vand.u32 $0xFFFF0000, v36;
	v46 =	vmul.f32 v61, v24  }
0x180: {  	v24 =	vmul.f32 v25, v24;
	v49 =	vshll.u32 v27, $0x10;
	v27 =	vand.u32 $0xFFFF0000, v27  }
0x181: {  	v12 =	vld.idx.msk [tilespmem:v12+s1+$0x0], $0xffff;
	v61 =	vmul.f32 v55, v62;
	v55 =	vmul.f32 v42, v3;
	v63 =	vshll.u32 v54, $0x10  }
0x182: {  	v29 =	vand.u32 $0xFFFF0000, v54;
	v51 =	vshll.u32 v58, $0x10;
	v35 =	vand.u32 $0xFFFF0000, v58  }
0x183: {  	v13 =	vld.idx.msk [tilespmem:v13+s1+$0x0], $0xffff;
	v54 =	vshll.u32 v39, $0x10;
	v39 =	vand.u32 $0xFFFF0000, v39;
	v43 =	vmul.f32 v59, v20  }
0x184: {  	v56 =	vshll.u32 v41, $0x10;
	v20 =	vmul.f32 v22, v20;
	v57 =	vmul.f32 v36, v38  }
0x185: {  	v16 =	vld.idx.msk [tilespmem:v16+s1+$0x0], $0xffff;
	v41 =	vand.u32 $0xFFFF0000, v41;
	v58 =	vmul.f32 v53, v60;
	v25 =	vmul.f32 v63, v28  }
0x186: {  	v18 =	vld.idx.msk [tilespmem:v18+s1+$0x0], $0xffff;
	v22 =	vshll.u32 v12, $0x10;
	v28 =	vmul.f32 v29, v28;
	v29 =	vmul.f32 v50, v31  }
0x187: {  	v12 =	vand.u32 $0xFFFF0000, v12;
	v31 =	vmul.f32 v32, v31;
	v32 =	vmul.f32 v51, v34  }
0x188: {  	v50 =	vmul.f32 v52, v38;
	v51 =	vshll.u32 v13, $0x10;
	v34 =	vmul.f32 v35, v34  }
0x189: {  	v17 =	vld.idx.msk [tilespmem:v17+s1+$0x0], $0xffff;
	v38 =	vand.u32 $0xFFFF0000, v13;
	v13 =	vmul.f32 v37, v60;
	v59 =	vmul.f32 v54, v45  }
0x18a: {  	v60 =	vshll.u32 v16, $0x10;
	v39 =	vmul.f32 v39, v45;
	v16 =	vand.u32 $0xFFFF0000, v16  }
0x18b: {  	v19 =	vld.idx.msk [tilespmem:v19+s1+$0x0], $0xffff;
	v62 =	vmul.f32 v56, v48;
	v63 =	vshll.u32 v18, $0x10;
	v41 =	vmul.f32 v41, v48  }
0x18c: {  	v18 =	vand.u32 $0xFFFF0000, v18;
	v22 =	vmul.f32 v22, v23;
	v20 =	vadd.f32 v57, v20  }
0x18d: {  	v36 =	vadd.f32 v58, v46;
	v57 =	vmul.f32 v12, v23;
	v58 =	vmul.f32 v49, v26  }
0x18e: {  	v26 =	vmul.f32 v27, v26;
	v27 =	vshll.u32 v17, $0x10;
	v60 =	vmul.f32 v60, v33  }
0x18f: {  	v23 =	vld.idx.msk [tilespmem:v15+s1+$0x0], $0xffff;
	v17 =	vand.u32 $0xFFFF0000, v17;
	v33 =	vmul.f32 v16, v33;
	v15 =	vmul.f32 v18, v55  }
0x190: {  	v18 =	vmul.f32 v4, v2;
	v16 =	vshll.u32 v19, $0x10;
	v43 =	vadd.f32 v50, v43  }
0x191: {  	v21 =	vld.idx.msk [tilespmem:v21+s1+$0x0], $0xffff;
	v4 =	vmul.f32 v11, v10;
	v56 =	vadd.f32 v13, v24;
	v25 =	vadd.f32 v59, v25  }
0x192: {  	v2 =	vmul.f32 v6, v3;
	v28 =	vadd.f32 v39, v28;
	v29 =	vadd.f32 v61, v29  }
0x193: {  	v31 =	vadd.f32 v40, v31;
	v12 =	vadd.f32 v62, v32;
	v59 =	vmul.f32 v51, v30  }
0x194: {  	v24 =	vld.idx.msk [tilespmem:v14+s1+$0x0], $0xffff;
	v13 =	vadd.f32 v41, v34;
	v30 =	vmul.f32 v38, v30;
	v14 =	vmul.f32 v63, v55  }
0x195: {  	v62 =	vmul.f32 v8, v7;
	v7 =	vmul.f32 v5, v9;
	v8 =	vand.u32 $0xFFFF0000, v19  }
0x196: {  	v9 =	vshll.u32 v21, $0x10;
	v20 =	vadd.f32 v20, v57;
	v19 =	vadd.f32 v56, v26  }
0x197: {  	s6 =	simm.s32 $0x12030;
	v5 =	vand.u32 $0xFFFF0000, v21;
	v10 =	vadd.f32 v25, v59;
	v11 =	vadd.f32 v28, v30  }
0x198: {  	[tilespmem:s6+$0x20] =	vst v1;
	v21 =	vmul.f32 v17, v18;
	v1 =	vadd.f32 v29, v60;
	v17 =	vadd.f32 v31, v33  }
0x199: {  	v6 =	vshll.u32 v23, $0x10;
	v3 =	vand.u32 $0xFFFF0000, v23;
	v23 =	vadd.f32 v43, v22  }
0x19a: {  	v61 =	vshll.u32 v24, $0x10;
	v63 =	vand.u32 $0xFFFF0000, v24;
	v24 =	vmul.f32 v27, v18  }
0x19b: {  	s8 =	simm.s32 $0x10090;
	s7 =	simm.s32 $0x0;
	s20 =	sor.u32 $0x2000, s0;
	v18 =	vadd.f32 v36, v58;
	v22 =	vmul.f32 v61, v62;
	v25 =	vmul.f32 v63, v62  }
.LBB2_7:
0x19c: {  	v26 =	vld [tilespmem:s8+$0x20];
	v16 =	vmul.f32 v16, v7;
	v12 =	vadd.f32 v12, v14;
	v13 =	vadd.f32 v13, v15  }
0x19d: {  	s7 =	sadd.s32 $0x6, s7;
	v15 =	vadd.f32 v23, v24;
	v7 =	vmul.f32 v8, v7;
	v8 =	vmul.f32 v9, v4;
	s19 =	sadd.s32 $0x60, s19;
	v14 =	vld [tilespmem:s8+$0xFFFFFFD0]  }
0x19e: {  	v20 =	vadd.f32 v20, v21;
	v4 =	vmul.f32 v5, v4;
	v5 =	vmul.f32 v6, v2;
	p0 =	slt.u32 s7, $0x1F8;
	v9 =	vld [tilespmem:s19+$0x20]  }
0x19f: {  	v18 =	vadd.f32 v18, v22;
	v2 =	vmul.f32 v3, v2;
	v19 =	vadd.f32 v19, v25;
	v6 =	vld [tilespmem:s8+$0xFFFFFFE0]  }
0x1a0: {  	v15 =	vpack.i.f32.bf16 v20, v15;
	v10 =	vadd.f32 v10, v16;
	v7 =	vadd.f32 v11, v7;
	v3 =	vld [tilespmem:s8+$0xFFFFFFF0]  }
0x1a1: {  	v8 =	vadd.f32 v1, v8;
	v4 =	vadd.f32 v17, v4;
	v11 =	vld [tilespmem:s8+$0x0];
	v16 =	vmul.f32 v26, v0;
	[tilespmem:s6+$0xFFFFFFD0] =	vst v15  }
0x1a2: {  	v12 =	vadd.f32 v12, v5;
	v13 =	vadd.f32 v13, v2;
	v1 =	vmul.f32 v14, v0;
	v14 =	vld [tilespmem:s8+$0x10]  }
0x1a3: {  	v17 =	vpack.i.f32.bf16 v19, v18;
	v15 =	vld [tilespmem:s19+$0xFFFFFFE0];
	v9 =	vmul.f32 v9, v0;
	v5 =	vtrunc.f32 v16  }
0x1a4: {  	v2 =	vmul.f32 v6, v0;
	v18 =	vld [tilespmem:s19+$0xFFFFFFF0];
	v6 =	vcvt.f32.s32 v5;
	[tilespmem:s6+$0xFFFFFFE0] =	vst v17;
	v5 =	vpack.i.f32.bf16 v7, v10  }
0x1a5: {  	v3 =	vmul.f32 v3, v0;
	v10 =	vld [tilespmem:s19+$0x0];
	v7 =	vtrunc.f32 v9;
	[tilespmem:s6+$0xFFFFFFF0] =	vst v5;
	v5 =	vpack.i.f32.bf16 v4, v8  }
0x1a6: {  	v4 =	vmul.f32 v11, v0;
	v17 =	vld [tilespmem:s19+$0x10];
	v7 =	vcvt.f32.s32 v7;
	v8 =	vmul.u32 $0x9E3779B1, v6;
	[tilespmem:s6+$0x0] =	vst v5  }
0x1a7: {  	v12 =	vpack.i.f32.bf16 v13, v12;
	v11 =	vtrunc.f32 v1;
	v19 =	vld [tilespmem:s19+$0xFFFFFFD0];
	v5 =	vmul.f32 v14, v0  }
0x1a8: {  	v13 =	vtrunc.f32 v2;
	v14 =	vtrunc.f32 v3;
	v20 =	vxor.u32 v7, v8;
	[tilespmem:s6+$0x10] =	vst v12  }
0x1a9: {  	v12 =	vtrunc.f32 v4;
	v21 =	vadd.s32 $0x9E3779B1, v8;
	v20 =	vand.u32 $0x7FFF, v20  }
0x1aa: {  	v23 =	vadd.s32 $0x1, v7;
	v22 =	vtrunc.f32 v5;
	v24 =	vxor.u32 v7, v21  }
0x1ab: {  	v25 =	vcvt.f32.s32 v11;
	v8 =	vxor.u32 v23, v8;
	v24 =	vand.u32 $0x7FFF, v24  }
0x1ac: {  	v13 =	vcvt.f32.s32 v13;
	v11 =	vxor.u32 v23, v21;
	v21 =	vand.u32 $0x7FFF, v8  }
0x1ad: {  	v6 =	vcvt.s32.f32 v6;
	v7 =	vcvt.s32.f32 v7;
	v23 =	vand.u32 $0x7FFF, v11  }
0x1ae: {  	v14 =	vcvt.f32.s32 v14;
	v12 =	vcvt.f32.s32 v12;
	v11 =	vmul.u32 $0x9E3779B1, v25;
	v20 =	vld.idx.msk [tilespmem:v20+s1+$0x0], $0xffff  }
0x1af: {  	v16 =	vsub.f32 v16, v6;
	v22 =	vcvt.f32.s32 v22;
	v26 =	vsub.f32 v9, v7  }
0x1b0: {  	v7 =	vmul.f32 v15, v0;
	v15 =	vmul.u32 $0x9E3779B1, v13;
	v6 =	vmul.f32 v19, v0;
	v19 =	vld.idx.msk [tilespmem:v24+s1+$0x0], $0xffff  }
0x1b1: {  	v8 =	vmul.f32 v18, v0;
	v18 =	vsub.f32 $1.000000000e+00, v26;
	v24 =	vsub.f32 $1.000000000e+00, v16;
	v21 =	vld.idx.msk [tilespmem:v21+s1+$0x0], $0xffff  }
0x1b2: {  	v27 =	vmul.u32 $0x9E3779B1, v14;
	v9 =	vmul.f32 v10, v0;
	v10 =	vmul.f32 v17, v0;
	v17 =	vld.idx.msk [tilespmem:v23+s1+$0x0], $0xffff  }
0x1b3: {  	v28 =	vmul.u32 $0x9E3779B1, v22;
	v23 =	vmul.u32 $0x9E3779B1, v12;
	v29 =	vmul.f32 v24, v18  }
0x1b4: {  	v24 =	vmul.f32 v24, v26;
	v26 =	vmul.f32 v16, v26;
	v30 =	vshll.u32 v20, $0x10  }
0x1b5: {  	v16 =	vmul.f32 v16, v18;
	v20 =	vand.u32 $0xFFFF0000, v20;
	v18 =	vmul.f32 v30, v29  }
0x1b6: {  	v20 =	vmul.f32 v20, v29;
	v30 =	vshll.u32 v19, $0x10;
	v19 =	vand.u32 $0xFFFF0000, v19  }
0x1b7: {  	v29 =	vmul.f32 v30, v16;
	v30 =	vshll.u32 v21, $0x10;
	v16 =	vmul.f32 v19, v16  }
0x1b8: {  	v21 =	vand.u32 $0xFFFF0000, v21;
	v19 =	vmul.f32 v30, v24;
	v30 =	vshll.u32 v17, $0x10  }
0x1b9: {  	v18 =	vadd.f32 v18, v29;
	v16 =	vadd.f32 v20, v16;
	v20 =	vmul.f32 v21, v24  }
0x1ba: {  	v17 =	vand.u32 $0xFFFF0000, v17;
	v21 =	vtrunc.f32 v6;
	v24 =	vmul.f32 v30, v26  }
0x1bb: {  	v17 =	vmul.f32 v17, v26;
	v18 =	vadd.f32 v18, v19;
	v16 =	vadd.f32 v16, v20  }
0x1bc: {  	v26 =	vtrunc.f32 v8;
	v19 =	vadd.s32 $0x9E3779B1, v11;
	v20 =	vtrunc.f32 v7  }
0x1bd: {  	v29 =	vtrunc.f32 v9;
	v18 =	vadd.f32 v18, v24;
	v16 =	vadd.f32 v16, v17  }
0x1be: {  	v17 =	vcvt.f32.s32 v21;
	v21 =	vadd.s32 $0x9E3779B1, v15;
	v24 =	vtrunc.f32 v10  }
0x1bf: {  	s6 =	sadd.s32 $0x60, s6;
	v26 =	vcvt.f32.s32 v26;
	v20 =	vcvt.f32.s32 v20;
	v16 =	vpack.i.f32.bf16 v16, v18  }
0x1c0: {  	v29 =	vcvt.f32.s32 v29;
	v24 =	vcvt.f32.s32 v24;
	v18 =	vadd.s32 $0x9E3779B1, v27;
	[tilespmem:s6+$0x20] =	vst v16  }
0x1c1: {  	v31 =	vadd.s32 $0x9E3779B1, v28;
	v30 =	vadd.s32 $0x9E3779B1, v23;
	v16 =	vxor.u32 v17, v19  }
0x1c2: {  	v34 =	vxor.u32 v29, v30;
	v32 =	vxor.u32 v20, v21;
	v33 =	vxor.u32 v26, v18  }
0x1c3: {  	v36 =	vxor.u32 v20, v15;
	v35 =	vxor.u32 v17, v11;
	v37 =	vxor.u32 v24, v31  }
0x1c4: {  	v38 =	vxor.u32 v26, v27;
	v39 =	vxor.u32 v29, v23;
	v40 =	vxor.u32 v24, v28  }
0x1c5: {  	v25 =	vcvt.s32.f32 v25;
	v41 =	vcvt.s32.f32 v17;
	v16 =	vand.u32 $0x7FFF, v16  }
0x1c6: {  	v13 =	vcvt.s32.f32 v13;
	v42 =	vcvt.s32.f32 v20;
	v32 =	vand.u32 $0x7FFF, v32  }
0x1c7: {  	v14 =	vcvt.s32.f32 v14;
	v43 =	vcvt.s32.f32 v26;
	v33 =	vand.u32 $0x7FFF, v33  }
0x1c8: {  	v12 =	vcvt.s32.f32 v12;
	v44 =	vcvt.s32.f32 v29;
	v34 =	vand.u32 $0x7FFF, v34  }
0x1c9: {  	v22 =	vcvt.s32.f32 v22;
	v45 =	vcvt.s32.f32 v24;
	v37 =	vand.u32 $0x7FFF, v37  }
0x1ca: {  	v38 =	vand.u32 $0x7FFF, v38;
	v36 =	vand.u32 $0x7FFF, v36;
	v35 =	vand.u32 $0x7FFF, v35;
	v16 =	vld.idx.msk [tilespmem:v16+s1+$0x0], $0xffff  }
0x1cb: {  	v39 =	vand.u32 $0x7FFF, v39;
	v17 =	vadd.s32 $0x1, v17;
	v40 =	vand.u32 $0x7FFF, v40;
	v32 =	vld.idx.msk [tilespmem:v32+s1+$0x0], $0xffff  }
0x1cc: {  	v29 =	vadd.s32 $0x1, v29;
	v20 =	vadd.s32 $0x1, v20;
	v26 =	vadd.s32 $0x1, v26;
	v33 =	vld.idx.msk [tilespmem:v33+s1+$0x0], $0xffff  }
0x1cd: {  	v15 =	vxor.u32 v20, v15;
	v24 =	vadd.s32 $0x1, v24;
	v11 =	vxor.u32 v17, v11;
	v34 =	vld.idx.msk [tilespmem:v34+s1+$0x0], $0xffff  }
0x1ce: {  	v23 =	vxor.u32 v29, v23;
	v27 =	vxor.u32 v26, v27;
	v28 =	vxor.u32 v24, v28;
	v37 =	vld.idx.msk [tilespmem:v37+s1+$0x0], $0xffff  }
0x1cf: {  	v1 =	vsub.f32 v1, v25;
	v6 =	vsub.f32 v6, v41;
	v11 =	vand.u32 $0x7FFF, v11;
	v25 =	vld.idx.msk [tilespmem:v35+s1+$0x0], $0xffff  }
0x1d0: {  	v2 =	vsub.f32 v2, v13;
	v7 =	vsub.f32 v7, v42;
	v15 =	vand.u32 $0x7FFF, v15;
	v13 =	vld.idx.msk [tilespmem:v36+s1+$0x0], $0xffff  }
0x1d1: {  	v3 =	vsub.f32 v3, v14;
	v8 =	vsub.f32 v8, v43;
	v27 =	vand.u32 $0x7FFF, v27;
	v14 =	vld.idx.msk [tilespmem:v38+s1+$0x0], $0xffff  }
0x1d2: {  	v4 =	vsub.f32 v4, v12;
	v9 =	vsub.f32 v9, v44;
	v23 =	vand.u32 $0x7FFF, v23;
	v12 =	vld.idx.msk [tilespmem:v39+s1+$0x0], $0xffff  }
0x1d3: {  	v5 =	vsub.f32 v5, v22;
	v10 =	vsub.f32 v10, v45;
	v28 =	vand.u32 $0x7FFF, v28;
	v22 =	vld.idx.msk [tilespmem:v40+s1+$0x0], $0xffff  }
0x1d4: {  	v18 =	vxor.u32 v26, v18;
	v17 =	vxor.u32 v17, v19;
	v19 =	vxor.u32 v20, v21;
	v11 =	vld.idx.msk [tilespmem:v11+s1+$0x0], $0xffff  }
0x1d5: {  	v24 =	vxor.u32 v24, v31;
	v21 =	vxor.u32 v29, v30;
	v20 =	vsub.f32 $1.000000000e+00, v6;
	v15 =	vld.idx.msk [tilespmem:v15+s1+$0x0], $0xffff  }
0x1d6: {  	v26 =	vsub.f32 $1.000000000e+00, v1;
	v29 =	vsub.f32 $1.000000000e+00, v7;
	v17 =	vand.u32 $0x7FFF, v17;
	v27 =	vld.idx.msk [tilespmem:v27+s1+$0x0], $0xffff  }
0x1d7: {  	v31 =	vsub.f32 $1.000000000e+00, v8;
	v30 =	vsub.f32 $1.000000000e+00, v2;
	v19 =	vand.u32 $0x7FFF, v19;
	v23 =	vld.idx.msk [tilespmem:v23+s1+$0x0], $0xffff  }
0x1d8: {  	v18 =	vand.u32 $0x7FFF, v18;
	v35 =	vsub.f32 $1.000000000e+00, v3;
	v36 =	vsub.f32 $1.000000000e+00, v9;
	v28 =	vld.idx.msk [tilespmem:v28+s1+$0x0], $0xffff  }
0x1d9: {  	v21 =	vand.u32 $0x7FFF, v21;
	v38 =	vsub.f32 $1.000000000e+00, v4;
	v39 =	vsub.f32 $1.000000000e+00, v10  }
0x1da: {  	v41 =	vsub.f32 $1.000000000e+00, v5;
	v24 =	vand.u32 $0x7FFF, v24;
	v40 =	vmul.f32 v26, v20  }
0x1db: {  	v43 =	vmul.f32 v30, v29;
	v42 =	vshll.u32 v16, $0x10;
	v20 =	vmul.f32 v1, v20;
	v17 =	vld.idx.msk [tilespmem:v17+s1+$0x0], $0xffff  }
0x1dc: {  	v29 =	vmul.f32 v2, v29;
	v16 =	vand.u32 $0xFFFF0000, v16;
	v44 =	vmul.f32 v35, v31;
	v19 =	vld.idx.msk [tilespmem:v19+s1+$0x0], $0xffff  }
0x1dd: {  	v45 =	vshll.u32 v32, $0x10;
	v31 =	vmul.f32 v3, v31;
	v46 =	vmul.f32 v38, v36;
	v18 =	vld.idx.msk [tilespmem:v18+s1+$0x0], $0xffff  }
0x1de: {  	v32 =	vand.u32 $0xFFFF0000, v32;
	v36 =	vmul.f32 v4, v36;
	v47 =	vmul.f32 v41, v39;
	v21 =	vld.idx.msk [tilespmem:v21+s1+$0x0], $0xffff  }
0x1df: {  	v48 =	vshll.u32 v33, $0x10;
	v33 =	vand.u32 $0xFFFF0000, v33;
	v39 =	vmul.f32 v5, v39;
	v24 =	vld.idx.msk [tilespmem:v24+s1+$0x0], $0xffff  }
0x1e0: {  	v49 =	vshll.u32 v34, $0x10;
	v34 =	vand.u32 $0xFFFF0000, v34;
	v50 =	vshll.u32 v37, $0x10  }
0x1e1: {  	v37 =	vand.u32 $0xFFFF0000, v37;
	v51 =	vshll.u32 v25, $0x10;
	v25 =	vand.u32 $0xFFFF0000, v25  }
0x1e2: {  	v52 =	vshll.u32 v13, $0x10;
	v13 =	vand.u32 $0xFFFF0000, v13;
	v53 =	vshll.u32 v14, $0x10  }
0x1e3: {  	v14 =	vand.u32 $0xFFFF0000, v14;
	v54 =	vshll.u32 v12, $0x10;
	v12 =	vand.u32 $0xFFFF0000, v12  }
0x1e4: {  	v42 =	vmul.f32 v42, v20;
	v55 =	vshll.u32 v22, $0x10;
	v22 =	vand.u32 $0xFFFF0000, v22  }
0x1e5: {  	v16 =	vmul.f32 v16, v20;
	v20 =	vmul.f32 v45, v29;
	v56 =	vshll.u32 v11, $0x10  }
0x1e6: {  	v29 =	vmul.f32 v32, v29;
	v32 =	vmul.f32 v48, v31;
	v11 =	vand.u32 $0xFFFF0000, v11  }
0x1e7: {  	v31 =	vmul.f32 v33, v31;
	v33 =	vmul.f32 v49, v36;
	v45 =	vshll.u32 v15, $0x10  }
0x1e8: {  	v34 =	vmul.f32 v34, v36;
	v36 =	vmul.f32 v50, v39;
	v15 =	vand.u32 $0xFFFF0000, v15  }
0x1e9: {  	v48 =	vmul.f32 v51, v40;
	v37 =	vmul.f32 v37, v39;
	v49 =	vshll.u32 v27, $0x10  }
0x1ea: {  	v25 =	vmul.f32 v25, v40;
	v39 =	vmul.f32 v52, v43;
	v27 =	vand.u32 $0xFFFF0000, v27  }
0x1eb: {  	v13 =	vmul.f32 v13, v43;
	v40 =	vmul.f32 v53, v44;
	v43 =	vshll.u32 v23, $0x10  }
0x1ec: {  	v14 =	vmul.f32 v14, v44;
	v44 =	vmul.f32 v54, v46;
	v23 =	vand.u32 $0xFFFF0000, v23  }
0x1ed: {  	v12 =	vmul.f32 v12, v46;
	v46 =	vmul.f32 v55, v47;
	v50 =	vshll.u32 v28, $0x10  }
0x1ee: {  	v26 =	vmul.f32 v26, v6;
	v22 =	vmul.f32 v22, v47;
	v28 =	vand.u32 $0xFFFF0000, v28  }
0x1ef: {  	v30 =	vmul.f32 v30, v7;
	v35 =	vmul.f32 v35, v8;
	v42 =	vadd.f32 v48, v42  }
0x1f0: {  	v25 =	vadd.f32 v25, v16;
	v16 =	vmul.f32 v38, v9;
	v38 =	vmul.f32 v41, v10  }
0x1f1: {  	v39 =	vadd.f32 v39, v20;
	v29 =	vadd.f32 v13, v29;
	v41 =	vmul.f32 v56, v26  }
0x1f2: {  	v31 =	vadd.f32 v14, v31;
	v11 =	vmul.f32 v11, v26;
	v26 =	vadd.f32 v40, v32  }
0x1f3: {  	v33 =	vadd.f32 v44, v33;
	v34 =	vadd.f32 v12, v34;
	v32 =	vmul.f32 v45, v30  }
0x1f4: {  	v30 =	vmul.f32 v15, v30;
	v12 =	vadd.f32 v46, v36;
	v13 =	vadd.f32 v22, v37  }
0x1f5: {  	v36 =	vmul.f32 v49, v35;
	v27 =	vmul.f32 v27, v35;
	v20 =	vshll.u32 v17, $0x10  }
0x1f6: {  	v35 =	vmul.f32 v43, v16;
	v37 =	vmul.f32 v23, v16;
	v17 =	vand.u32 $0xFFFF0000, v17  }
0x1f7: {  	v14 =	vmul.f32 v50, v38;
	v15 =	vmul.f32 v28, v38;
	v22 =	vshll.u32 v19, $0x10  }
0x1f8: {  	v1 =	vmul.f32 v1, v6;
	v28 =	vmul.f32 v2, v7;
	v38 =	vand.u32 $0xFFFF0000, v19  }
0x1f9: {  	v4 =	vmul.f32 v4, v9;
	v7 =	vmul.f32 v3, v8;
	v16 =	vshll.u32 v18, $0x10  }
0x1fa: {  	v2 =	vmul.f32 v5, v10;
	v8 =	vand.u32 $0xFFFF0000, v18;
	v9 =	vshll.u32 v21, $0x10  }
.Ltmp4:
0x1fb: {  	v5 =	vand.u32 $0xFFFF0000, v21;
	v6 =	vshll.u32 v24, $0x10;
	v3 =	vand.u32 $0xFFFF0000, v24;
	(pc) =	sbr.rel @p0 .LBB2_7-.Ltmp4, $4  }
0x1fc: {  	v23 =	vadd.f32 v42, v41;
	v24 =	vmul.f32 v20, v1;
	v20 =	vadd.f32 v25, v11  }
0x1fd: {  	v19 =	vadd.f32 v29, v30;
	v18 =	vadd.f32 v39, v32;
	v21 =	vmul.f32 v17, v1  }
0x1fe: {  	v10 =	vadd.f32 v26, v36;
	v22 =	vmul.f32 v22, v28;
	v11 =	vadd.f32 v31, v27  }
0x1ff: {  	s8 =	sadd.s32 $0x60, s8;
	v17 =	vadd.f32 v34, v37;
	v25 =	vmul.f32 v38, v28;
	v1 =	vadd.f32 v33, v35  }
0x200: {  	v16 =	vmul.f32 v16, v7;
	v12 =	vadd.f32 v12, v14;
	v13 =	vadd.f32 v13, v15  }
0x201: {  	v53 =	vadd.f32 v23, v24;
	v54 =	vmul.f32 v8, v7;
	v55 =	vmul.f32 v9, v4  }
0x202: {  	v56 =	vadd.f32 v20, v21;
	v57 =	vmul.f32 v5, v4;
	v58 =	vmul.f32 v6, v2  }
0x203: {  	v59 =	vadd.f32 v18, v22;
	v2 =	vmul.f32 v3, v2;
	v60 =	vadd.f32 v19, v25  }
0x204: {  	v3 =	vpack.i.f32.bf16 v56, v53;
	v61 =	vadd.f32 v10, v16;
	v7 =	vadd.f32 v11, v54  }
0x205: {  	v1 =	vadd.f32 v1, v55;
	[tilespmem:s6+$0xFFFFFFD0] =	vst v3;
	v3 =	vadd.f32 v17, v57;
	v62 =	vpack.i.f32.bf16 v60, v59  }
0x206: {  	v5 =	vadd.f32 v12, v58;
	v2 =	vadd.f32 v13, v2;
	[tilespmem:s6+$0xFFFFFFE0] =	vst v62;
	v63 =	vpack.i.f32.bf16 v7, v61  }
0x207: {  	[tilespmem:s6+$0xFFFFFFF0] =	vst v63;
	v1 =	vpack.i.f32.bf16 v3, v1  }
0x208: {  	[tilespmem:s6+$0x0] =	vst v1;
	v1 =	vpack.i.f32.bf16 v2, v5  }
0x209: {  	[tilespmem:s6+$0x10] =	vst v1  }
.LBB2_9:
0x20a: {  	s6 =	sshra.s32 s1, $0x2  }
0x20b: {  	v1 =	vld [tilespmem:s6+$0x11FE0];
	_ =	sdelay $0x1  }
0x20c: {  	v2 =	vld [tilespmem:s6+$0xFFE0];
	_ =	sdelay $0x2  }
0x20d: {  	v1 =	vmul.f32 v1, v0;
	_ =	sdelay $0x1  }
0x20e: {  	v2 =	vmul.f32 v2, v0;
	v3 =	vtrunc.f32 v1  }
0x20f: {  	v3 =	vcvt.f32.s32 v3  }
0x210: {  	v4 =	vtrunc.f32 v2  }
0x211: {  	v4 =	vcvt.f32.s32 v4;
	v5 =	vmul.u32 $0x9E3779B1, v3;
	_ =	sdelay $0x1  }
0x212: {  	v9 =	vadd.s32 $0x1, v4;
	v7 =	vxor.u32 v4, v5  }
0x213: {  	v6 =	vadd.s32 $0x9E3779B1, v5;
	v5 =	vxor.u32 v9, v5;
	v7 =	vand.u32 $0x7FFF, v7  }
0x214: {  	v3 =	vcvt.s32.f32 v3;
	v8 =	vxor.u32 v4, v6;
	v5 =	vand.u32 $0x7FFF, v5  }
0x215: {  	v8 =	vand.u32 $0x7FFF, v8  }
0x216: {  	v1 =	vsub.f32 v1, v3;
	v4 =	vcvt.s32.f32 v4;
	v3 =	vxor.u32 v9, v6  }
0x217: {  	v3 =	vand.u32 $0x7FFF, v3  }
0x218: {  	v2 =	vsub.f32 v2, v4;
	v54 =	vld.idx.msk [tilespmem:v7+s2+$0x0], $0xffff  }
0x219: {  	v5 =	vld.idx.msk [tilespmem:v5+s2+$0x0], $0xffff  }
0x21a: {  	v57 =	vsub.f32 $1.000000000e+00, v1;
	v56 =	vsub.f32 $1.000000000e+00, v2;
	v55 =	vld.idx.msk [tilespmem:v8+s2+$0x0], $0xffff;
	_ =	sdelay $0x1  }
0x21b: {  	v58 =	vmul.f32 v57, v56;
	v3 =	vld.idx.msk [tilespmem:v3+s2+$0x0], $0xffff  }
0x21c: {  	v7 =	vmul.f32 v1, v56;
	v8 =	vmul.f32 v57, v2;
	v10 =	vshll.u32 v54, $0x10  }
0x21d: {  	v4 =	vand.u32 $0xFFFF0000, v54;
	v59 =	vshll.u32 v5, $0x10;
	v10 =	vmul.f32 v10, v58  }
0x21e: {  	v11 =	vshll.u32 v55, $0x10;
	v6 =	vand.u32 $0xFFFF0000, v55;
	v4 =	vmul.f32 v4, v58  }
0x21f: {  	v5 =	vand.u32 $0xFFFF0000, v5;
	v11 =	vmul.f32 v11, v7;
	v6 =	vmul.f32 v6, v7  }
0x220: {  	v1 =	vmul.f32 v1, v2;
	v61 =	vmul.f32 v5, v8;
	v63 =	vshll.u32 v3, $0x10  }
0x221: {  	v7 =	vmul.f32 v59, v8;
	v60 =	vadd.f32 v10, v11;
	v2 =	vadd.f32 v4, v6  }
0x222: {  	v3 =	vand.u32 $0xFFFF0000, v3;
	v6 =	vmul.f32 v63, v1  }
0x223: {  	p0 =	sne.s32 s1, $0x40;
	v1 =	vmul.f32 v3, v1;
	v62 =	vadd.f32 v60, v7;
	v2 =	vadd.f32 v2, v61  }
.Ltmp5:
0x224: {  	_ = 	snop;
	(pc) =	sbr.rel @p0 .LBB2_9-.Ltmp5, $3  }
0x225: {  	v3 =	vadd.f32 v62, v6;
	v1 =	vadd.f32 v2, v1;
	_ =	sdelay $0x1  }
0x226: {  	v1 =	vpack.i.f32.bf16 v1, v3  }
0x227: {  	s1 =	sadd.s32 $0x40, s1;
	[tilespmem:s6+$0x13FE0] =	vst v1  }
.Ltmp6:
0x228: {  	(pc) =	sbr.rel @p1 .LBB2_12-.Ltmp6, $3  }
0x229: {  	_ =	sdelay $0x1  }
0x22a: {  	s1 =	sadd.s32 s15, s20  }
0x22b: {  	[hbm4b:s1+s16] =	stream.strided.scatter [tilespmem:s26], [sflag:$0x4], $0x2000, s17, s16, $0x38;
	[tilespmem:$0x14000] =	vst v63  }
0x22c: {  	s0 =	sadd.s32 s0, s13  }
.Ltmp7:
0x22d: {  	s0 =	sshrl.u32 s0, $0x3;
	(pc) =	sbr.rel .LBB2_2-.Ltmp7, $4  }
0x22e: {  	s1 =	sadd.s32 s3, s0  }
0x22f: {  	[tilespmem:s21], [sflag:$0x2] =	stream.linear.gather [hbm4b:s1+s2], $0x2000, $0x38;
	[tilespmem:$0x14000] =	vst v63  }
0x230: {  	s31 =	sadd.s32 $0x1, s31;
	s0 =	sadd.s32 s4, s0  }
0x231: {  	[tilespmem:s22], [sflag:$0x2] =	stream.linear.gather [hbm4b:s0+s2], $0x2000, $0x38;
	[tilespmem:$0x14000] =	vst v63  }
.LBB2_13:
0x232: {  	_ =	sfence.sel $0x180000  }
0x233: {  	[bflag:$0x0] =	sbarrier.arrive $0xFFFF  }
0x234: {  	_ =	strace $0x90000047  }
0x235: {  	s0 =	stileid.u32;
	[bflag:$0x2] =	sbarrier.arrive $0xFFFF  }
0x236: {  	p0 =	sne.s32 s0, $0x0;
	s0 =	rddreg [dreg:$0x2]  }
0x237: {  	s0 =	sadd.s32 @!p0 $0x100000, s0  }
0x238: {  	[sflag:s0] =	ssyncadd.tile.s32 @!p0 $0x1;
	_ =	shalt  }
.Lfunc_end2:
_tile_overlayer_lowered:
.L_overlay_start_2:
0x239: {  	(tag) =	ssettag $0x2  }
0x23a: {  	s0 =	rddreg [dreg:$0x0];
	s2 =	stileid.u32  }
0x23b: {  	s1 =	rddreg [dreg:$0x1];
	p0 =	sne.s32 s2, $0x0  }
0x23c: {  	s3 =	rddreg [dreg:$0x2];
	[bflag:$0x3] =	sbarrier.arrive $0xFFFF;
	s2 =	simm.s32 @!p0 $0x1C05  }
0x23d: {  	[timem:s3], [sflag:s2] =	dma.local @!p0 [hbm:s0], s1  }
0x23e: {  	s0 =	simm.s32 @!p0 $0x5  }
0x23f: {  	_ =	swait.ge @!p0 [sflag:s0], s1  }
0x240: {  	s1 =	ssub.s32 @!p0 $0x0, s1;
	[sflag:s0] =	ssyncset.done @!p0 $0x0  }
0x241: {  	[sflag:s0] =	ssyncadd.s32 @!p0 s1  }
0x242: {  	[bflag:$0x3] =	sbarrier.arrive $0xFFFF  }
0x243: {  	_ =	shalt  }

</sc_bundles>
